<compile_context>
chip_gen: v7x
topology: tpu7x:2x2x1
jax: 0.10.2.dev20260603
libtpu: 0.0.44.dev20260713+nightly
codegen_flags: <defaults>
</compile_context>

<pallas_src>
import functools

import jax
import jax.numpy as jnp
from jax import lax
from jax.experimental import pallas as pl
from jax.experimental.pallas import tpu as pltpu
from jax.experimental.pallas import tpu_sc as plsc

_BATCH = 4096
_SEQ = 200
_EMB = 64
_TOTAL = _BATCH * _SEQ
_NW = 32
_B_PER_W = _TOTAL // _NW
_CHUNK = 800
_NCHUNK = _B_PER_W // _CHUNK
_NBUF = 2
_KSUB = 10
_SUB = _CHUNK // _KSUB

_mesh = plsc.VectorSubcoreMesh(core_axis_name="c", subcore_axis_name="s")


@functools.partial(
    pl.kernel,
    mesh=_mesh,
    out_type=jax.ShapeDtypeStruct((_TOTAL, 128), jnp.float32),
    scratch_types=[
        pltpu.VMEM((_B_PER_W,), jnp.int32),
        pltpu.VMEM((_NBUF, _CHUNK, _EMB), jnp.float32),
        pltpu.SemaphoreType.DMA((_NBUF,)),
        pltpu.SemaphoreType.DMA((_NBUF,)),
    ],
    compiler_params=pltpu.CompilerParams(use_tc_tiling_on_sc=False),
)
def _gather_kernel(ids_hbm, table_hbm, out_hbm, idx_v, rows_v, gsem, osem):
    wid = lax.axis_index("s") * 2 + lax.axis_index("c")
    base = wid * _B_PER_W

    pltpu.sync_copy(ids_hbm.at[pl.ds(base, _B_PER_W)], idx_v)

    def dbl(q, c):
        idx_v[pl.ds(16 * q, 16)] = lax.shift_left(
            idx_v[pl.ds(16 * q, 16)], 1
        )
        return c

    lax.fori_loop(0, _B_PER_W // 16, dbl, 0, unroll=8)

    def gather_start(j, b):
        for k in range(_KSUB):
            idx = idx_v.at[pl.ds(j * _CHUNK + k * _SUB, _SUB)]
            dst = rows_v.at[b, pl.ds(k * _SUB, _SUB)]
            pltpu.async_copy(table_hbm.at[idx], dst, gsem.at[b])

    def gather_wait(j, b):
        for k in range(_KSUB):
            idx = idx_v.at[pl.ds(j * _CHUNK + k * _SUB, _SUB)]
            dst = rows_v.at[b, pl.ds(k * _SUB, _SUB)]
            pltpu.make_async_copy(table_hbm.at[idx], dst, gsem.at[b]).wait()

    def store_start(j, b):
        out = out_hbm.at[pl.ds(base + j * _CHUNK, _CHUNK), pl.ds(0, _EMB)]
        pltpu.async_copy(rows_v.at[b], out, osem.at[b])

    def store_wait(j, b):
        out = out_hbm.at[pl.ds(base + j * _CHUNK, _CHUNK), pl.ds(0, _EMB)]
        pltpu.make_async_copy(rows_v.at[b], out, osem.at[b]).wait()

    for b in range(_NBUF):
        gather_start(b, b)

    def body(t, carry):
        for b in range(_NBUF):
            j = t * _NBUF + b
            gather_wait(j, b)
            store_start(j, b)

            @pl.when(j < _NCHUNK - _NBUF)
            def _():
                store_wait(j, b)
                gather_start(j + _NBUF, b)

        return carry

    lax.fori_loop(0, _NCHUNK // _NBUF, body, 0)

    for b in range(_NBUF):
        store_wait(_NCHUNK - _NBUF + b, b)


def kernel(prompt_token_ids, embedding_table):
    ids = prompt_token_ids.reshape(_TOTAL)
    tab = jnp.pad(embedding_table, ((0, 0), (0, 64))).reshape(2 * 1000000, _EMB)
    out = _gather_kernel(ids, tab)
    return out[:, :_EMB].reshape(_BATCH, _SEQ, _EMB)

# --- scband reference (transcript-rebuilt; emitter-appended) ---
"""Pipeline reference for scband-prompt-encoder-10694468567673 (READ-ONLY COPY).

The authoritative reference and input builder live on the scoring server;
editing this copy changes nothing except your own understanding.
"""

import jax, jax.numpy as jnp
import numpy as np

NUM_PROMPT_TOKENS = 1000000
OFFSET = 0
EMB_DIM = 64
BATCH = 4096
SEQ = 200

def setup_inputs(seed: int = 0) -> dict:
    key = jax.random.key(seed)
    k1, k2 = jax.random.split(key)
    prompt_token_ids = jax.random.randint(k1, (BATCH, SEQ), 0, NUM_PROMPT_TOKENS, dtype=jnp.int64) if jax.config.jax_enable_x64 else jax.random.randint(k1, (BATCH, SEQ), 0, NUM_PROMPT_TOKENS, dtype=jnp.int32)
    embedding_table = jax.random.normal(k2, (NUM_PROMPT_TOKENS, EMB_DIM), dtype=jnp.float32) * 0.02
    return {"prompt_token_ids": prompt_token_ids, "embedding_table": embedding_table}

def reference(prompt_token_ids, embedding_table):
    # forward: subtract offset then embedding lookup
    ids = prompt_token_ids - OFFSET
    out = jnp.take(embedding_table, ids, axis=0)
    return out

if __name__ == "__main__":
    import jax
    _d = setup_inputs()
    print(jax.jit(kernel)(*tuple(_d.values())))

</pallas_src>

<mosaic_0001>
#map = affine_map<(d0, d1) -> (0)>
#map1 = affine_map<(d0, d1) -> (0, 0)>
module attributes {stable_mosaic.version = 14 : i64} {
  func.func @_gather_kernel(%arg0: i32, %arg1: i32, %arg2: memref<819200xi32, #tpu.memory_space<hbm>>, %arg3: memref<2000000x64xf32, #tpu.memory_space<hbm>>, %arg4: memref<819200x128xf32, #tpu.memory_space<hbm>>, %arg5: memref<25600xi32, #tpu.memory_space<vmem>>, %arg6: memref<2x800x64xf32, #tpu.memory_space<vmem>>, %arg7: memref<2x!tpu.dma_semaphore, #tpu.memory_space<semaphore_mem>>, %arg8: memref<2x!tpu.dma_semaphore, #tpu.memory_space<semaphore_mem>>) attributes {dimension_semantics = [#tpu.dimension_semantics<core_parallel>, #tpu.dimension_semantics<subcore_parallel>], iteration_bounds = array<i64: 2, 16>, scalar_prefetch = 0 : i64, scratch_operands = 4 : i64, tpu.core_type = #tpu.core_type<sc_vector_subcore>, window_params = [{transform_indices = #map}, {transform_indices = #map1}, {transform_indices = #map1}]} {
    %mul3A = arith.constant 2 : i32
    %mul3A_0 = arith.muli %arg1, %mul3A : i32
    %add3A = arith.addi %mul3A_0, %arg0 : i32
    %mul3A_1 = arith.constant 25600 : i32
    %mul3A_2 = arith.muli %add3A, %mul3A_1 : i32
    "tpu.region"() ({
      %run_scoped3A = tpu.sem_alloc : memref<!tpu.dma_semaphore, #tpu.memory_space<semaphore_mem>>
      %dma_start3A_308 = tpu.memref_slice %arg2[%mul3A_2] : memref<819200xi32, #tpu.memory_space<hbm>> -> memref<25600xi32, #tpu.memory_space<hbm>>
      %dma_start3A_309 = tpu.memref_slice %arg2[%mul3A_2] : memref<819200xi32, #tpu.memory_space<hbm>> -> memref<25600xi32, #tpu.memory_space<hbm>>
      tpu.enqueue_dma source(%dma_start3A_309 : memref<25600xi32, #tpu.memory_space<hbm>>) target(%arg5 : memref<25600xi32, #tpu.memory_space<vmem>>) target_semaphore(%run_scoped3A : memref<!tpu.dma_semaphore, #tpu.memory_space<semaphore_mem>>)
      %dma_wait3A_310 = tpu.memref_slice %arg2[%mul3A_2] : memref<819200xi32, #tpu.memory_space<hbm>> -> memref<25600xi32, #tpu.memory_space<hbm>>
      %dma_wait3A_311 = tpu.memref_slice %arg2[%mul3A_2] : memref<819200xi32, #tpu.memory_space<hbm>> -> memref<25600xi32, #tpu.memory_space<hbm>>
      tpu.wait_dma2 semaphore(%run_scoped3A : memref<!tpu.dma_semaphore, #tpu.memory_space<semaphore_mem>>) src(%dma_wait3A_311 : memref<25600xi32, #tpu.memory_space<hbm>>) dst(%arg5 : memref<25600xi32, #tpu.memory_space<vmem>>)
      tpu.yield
    }) : () -> ()
    %scan3A = arith.constant 0 : i32
    %scan3A_3 = arith.constant 0 : i32
    %scan3A_4 = arith.constant 1600 : i32
    %scan3A_5 = arith.addi %scan3A_3, %scan3A_4 : i32
    %scan3A_6 = arith.constant 8 : i32
    scf.for %scan3A_308 = %scan3A_3 to %scan3A_5 step %scan3A_6  : i32 {
      %mul3A_309 = arith.constant 16 : i32
      %mul3A_310 = arith.muli %mul3A_309, %scan3A_308 : i32
      %get3A = arith.index_cast %mul3A_310 : i32 to index
      %get3A_311 = tpu.vector_load %arg5[%get3A] {strides = array<i32>} : memref<25600xi32, #tpu.memory_space<vmem>>, vector<16xi32>,
      %get3A_312 = vector.shape_cast %get3A_311 : vector<16xi32> to vector<16xi32>
      %shift_left3A = arith.constant 1 : i32
      %shift_left3A_313 = vector.broadcast %shift_left3A : i32 to vector<16xi32>
      %shift_left3A_314 = arith.shli %get3A_312, %shift_left3A_313 : vector<16xi32>
      %mul3A_315 = arith.constant 16 : i32
      %mul3A_316 = arith.muli %mul3A_315, %scan3A_308 : i32
      %swap3A = arith.index_cast %mul3A_316 : i32 to index
      %swap3A_317 = tpu.vector_load %arg5[%swap3A] {strides = array<i32>} : memref<25600xi32, #tpu.memory_space<vmem>>, vector<16xi32>,
      %swap3A_318 = vector.shape_cast %swap3A_317 : vector<16xi32> to vector<16xi32>
      %swap3A_319 = vector.shape_cast %shift_left3A_314 : vector<16xi32> to vector<16xi32>
      tpu.vector_store %arg5[%swap3A], %swap3A_319 {strides = array<i32>} : memref<25600xi32, #tpu.memory_space<vmem>>, vector<16xi32>,
      %scan3A_320 = arith.constant 1 : i32
      %scan3A_321 = arith.addi %scan3A_308, %scan3A_320 : i32
      %mul3A_322 = arith.constant 16 : i32
      %mul3A_323 = arith.muli %mul3A_322, %scan3A_321 : i32
      %get3A_324 = arith.index_cast %mul3A_323 : i32 to index
      %get3A_325 = tpu.vector_load %arg5[%get3A_324] {strides = array<i32>} : memref<25600xi32, #tpu.memory_space<vmem>>, vector<16xi32>,
      %get3A_326 = vector.shape_cast %get3A_325 : vector<16xi32> to vector<16xi32>
      %shift_left3A_327 = arith.constant 1 : i32
      %shift_left3A_328 = vector.broadcast %shift_left3A_327 : i32 to vector<16xi32>
      %shift_left3A_329 = arith.shli %get3A_326, %shift_left3A_328 : vector<16xi32>
      %mul3A_330 = arith.constant 16 : i32
      %mul3A_331 = arith.muli %mul3A_330, %scan3A_321 : i32
      %swap3A_332 = arith.index_cast %mul3A_331 : i32 to index
      %swap3A_333 = tpu.vector_load %arg5[%swap3A_332] {strides = array<i32>} : memref<25600xi32, #tpu.memory_space<vmem>>, vector<16xi32>,
      %swap3A_334 = vector.shape_cast %swap3A_333 : vector<16xi32> to vector<16xi32>
      %swap3A_335 = vector.shape_cast %shift_left3A_329 : vector<16xi32> to vector<16xi32>
      tpu.vector_store %arg5[%swap3A_332], %swap3A_335 {strides = array<i32>} : memref<25600xi32, #tpu.memory_space<vmem>>, vector<16xi32>,
      %scan3A_336 = arith.constant 2 : i32
      %scan3A_337 = arith.addi %scan3A_308, %scan3A_336 : i32
      %mul3A_338 = arith.constant 16 : i32
      %mul3A_339 = arith.muli %mul3A_338, %scan3A_337 : i32
      %get3A_340 = arith.index_cast %mul3A_339 : i32 to index
      %get3A_341 = tpu.vector_load %arg5[%get3A_340] {strides = array<i32>} : memref<25600xi32, #tpu.memory_space<vmem>>, vector<16xi32>,
      %get3A_342 = vector.shape_cast %get3A_341 : vector<16xi32> to vector<16xi32>
      %shift_left3A_343 = arith.constant 1 : i32
      %shift_left3A_344 = vector.broadcast %shift_left3A_343 : i32 to vector<16xi32>
      %shift_left3A_345 = arith.shli %get3A_342, %shift_left3A_344 : vector<16xi32>
      %mul3A_346 = arith.constant 16 : i32
      %mul3A_347 = arith.muli %mul3A_346, %scan3A_337 : i32
      %swap3A_348 = arith.index_cast %mul3A_347 : i32 to index
      %swap3A_349 = tpu.vector_load %arg5[%swap3A_348] {strides = array<i32>} : memref<25600xi32, #tpu.memory_space<vmem>>, vector<16xi32>,
      %swap3A_350 = vector.shape_cast %swap3A_349 : vector<16xi32> to vector<16xi32>
      %swap3A_351 = vector.shape_cast %shift_left3A_345 : vector<16xi32> to vector<16xi32>
      tpu.vector_store %arg5[%swap3A_348], %swap3A_351 {strides = array<i32>} : memref<25600xi32, #tpu.memory_space<vmem>>, vector<16xi32>,
      %scan3A_352 = arith.constant 3 : i32
      %scan3A_353 = arith.addi %scan3A_308, %scan3A_352 : i32
      %mul3A_354 = arith.constant 16 : i32
      %mul3A_355 = arith.muli %mul3A_354, %scan3A_353 : i32
      %get3A_356 = arith.index_cast %mul3A_355 : i32 to index
      %get3A_357 = tpu.vector_load %arg5[%get3A_356] {strides = array<i32>} : memref<25600xi32, #tpu.memory_space<vmem>>, vector<16xi32>,
      %get3A_358 = vector.shape_cast %get3A_357 : vector<16xi32> to vector<16xi32>
      %shift_left3A_359 = arith.constant 1 : i32
      %shift_left3A_360 = vector.broadcast %shift_left3A_359 : i32 to vector<16xi32>
      %shift_left3A_361 = arith.shli %get3A_358, %shift_left3A_360 : vector<16xi32>
      %mul3A_362 = arith.constant 16 : i32
      %mul3A_363 = arith.muli %mul3A_362, %scan3A_353 : i32
      %swap3A_364 = arith.index_cast %mul3A_363 : i32 to index
      %swap3A_365 = tpu.vector_load %arg5[%swap3A_364] {strides = array<i32>} : memref<25600xi32, #tpu.memory_space<vmem>>, vector<16xi32>,
      %swap3A_366 = vector.shape_cast %swap3A_365 : vector<16xi32> to vector<16xi32>
      %swap3A_367 = vector.shape_cast %shift_left3A_361 : vector<16xi32> to vector<16xi32>
      tpu.vector_store %arg5[%swap3A_364], %swap3A_367 {strides = array<i32>} : memref<25600xi32, #tpu.memory_space<vmem>>, vector<16xi32>,
      %scan3A_368 = arith.constant 4 : i32
      %scan3A_369 = arith.addi %scan3A_308, %scan3A_368 : i32
      %mul3A_370 = arith.constant 16 : i32
      %mul3A_371 = arith.muli %mul3A_370, %scan3A_369 : i32
      %get3A_372 = arith.index_cast %mul3A_371 : i32 to index
      %get3A_373 = tpu.vector_load %arg5[%get3A_372] {strides = array<i32>} : memref<25600xi32, #tpu.memory_space<vmem>>, vector<16xi32>,
      %get3A_374 = vector.shape_cast %get3A_373 : vector<16xi32> to vector<16xi32>
      %shift_left3A_375 = arith.constant 1 : i32
      %shift_left3A_376 = vector.broadcast %shift_left3A_375 : i32 to vector<16xi32>
      %shift_left3A_377 = arith.shli %get3A_374, %shift_left3A_376 : vector<16xi32>
      %mul3A_378 = arith.constant 16 : i32
      %mul3A_379 = arith.muli %mul3A_378, %scan3A_369 : i32
      %swap3A_380 = arith.index_cast %mul3A_379 : i32 to index
      %swap3A_381 = tpu.vector_load %arg5[%swap3A_380] {strides = array<i32>} : memref<25600xi32, #tpu.memory_space<vmem>>, vector<16xi32>,
      %swap3A_382 = vector.shape_cast %swap3A_381 : vector<16xi32> to vector<16xi32>
      %swap3A_383 = vector.shape_cast %shift_left3A_377 : vector<16xi32> to vector<16xi32>
      tpu.vector_store %arg5[%swap3A_380], %swap3A_383 {strides = array<i32>} : memref<25600xi32, #tpu.memory_space<vmem>>, vector<16xi32>,
      %scan3A_384 = arith.constant 5 : i32
      %scan3A_385 = arith.addi %scan3A_308, %scan3A_384 : i32
      %mul3A_386 = arith.constant 16 : i32
      %mul3A_387 = arith.muli %mul3A_386, %scan3A_385 : i32
      %get3A_388 = arith.index_cast %mul3A_387 : i32 to index
      %get3A_389 = tpu.vector_load %arg5[%get3A_388] {strides = array<i32>} : memref<25600xi32, #tpu.memory_space<vmem>>, vector<16xi32>,
      %get3A_390 = vector.shape_cast %get3A_389 : vector<16xi32> to vector<16xi32>
      %shift_left3A_391 = arith.constant 1 : i32
      %shift_left3A_392 = vector.broadcast %shift_left3A_391 : i32 to vector<16xi32>
      %shift_left3A_393 = arith.shli %get3A_390, %shift_left3A_392 : vector<16xi32>
      %mul3A_394 = arith.constant 16 : i32
      %mul3A_395 = arith.muli %mul3A_394, %scan3A_385 : i32
      %swap3A_396 = arith.index_cast %mul3A_395 : i32 to index
      %swap3A_397 = tpu.vector_load %arg5[%swap3A_396] {strides = array<i32>} : memref<25600xi32, #tpu.memory_space<vmem>>, vector<16xi32>,
      %swap3A_398 = vector.shape_cast %swap3A_397 : vector<16xi32> to vector<16xi32>
      %swap3A_399 = vector.shape_cast %shift_left3A_393 : vector<16xi32> to vector<16xi32>
      tpu.vector_store %arg5[%swap3A_396], %swap3A_399 {strides = array<i32>} : memref<25600xi32, #tpu.memory_space<vmem>>, vector<16xi32>,
      %scan3A_400 = arith.constant 6 : i32
      %scan3A_401 = arith.addi %scan3A_308, %scan3A_400 : i32
      %mul3A_402 = arith.constant 16 : i32
      %mul3A_403 = arith.muli %mul3A_402, %scan3A_401 : i32
      %get3A_404 = arith.index_cast %mul3A_403 : i32 to index
      %get3A_405 = tpu.vector_load %arg5[%get3A_404] {strides = array<i32>} : memref<25600xi32, #tpu.memory_space<vmem>>, vector<16xi32>,
      %get3A_406 = vector.shape_cast %get3A_405 : vector<16xi32> to vector<16xi32>
      %shift_left3A_407 = arith.constant 1 : i32
      %shift_left3A_408 = vector.broadcast %shift_left3A_407 : i32 to vector<16xi32>
      %shift_left3A_409 = arith.shli %get3A_406, %shift_left3A_408 : vector<16xi32>
      %mul3A_410 = arith.constant 16 : i32
      %mul3A_411 = arith.muli %mul3A_410, %scan3A_401 : i32
      %swap3A_412 = arith.index_cast %mul3A_411 : i32 to index
      %swap3A_413 = tpu.vector_load %arg5[%swap3A_412] {strides = array<i32>} : memref<25600xi32, #tpu.memory_space<vmem>>, vector<16xi32>,
      %swap3A_414 = vector.shape_cast %swap3A_413 : vector<16xi32> to vector<16xi32>
      %swap3A_415 = vector.shape_cast %shift_left3A_409 : vector<16xi32> to vector<16xi32>
      tpu.vector_store %arg5[%swap3A_412], %swap3A_415 {strides = array<i32>} : memref<25600xi32, #tpu.memory_space<vmem>>, vector<16xi32>,
      %scan3A_416 = arith.constant 7 : i32
      %scan3A_417 = arith.addi %scan3A_308, %scan3A_416 : i32
      %mul3A_418 = arith.constant 16 : i32
      %mul3A_419 = arith.muli %mul3A_418, %scan3A_417 : i32
      %get3A_420 = arith.index_cast %mul3A_419 : i32 to index
      %get3A_421 = tpu.vector_load %arg5[%get3A_420] {strides = array<i32>} : memref<25600xi32, #tpu.memory_space<vmem>>, vector<16xi32>,
      %get3A_422 = vector.shape_cast %get3A_421 : vector<16xi32> to vector<16xi32>
      %shift_left3A_423 = arith.constant 1 : i32
      %shift_left3A_424 = vector.broadcast %shift_left3A_423 : i32 to vector<16xi32>
      %shift_left3A_425 = arith.shli %get3A_422, %shift_left3A_424 : vector<16xi32>
      %mul3A_426 = arith.constant 16 : i32
      %mul3A_427 = arith.muli %mul3A_426, %scan3A_417 : i32
      %swap3A_428 = arith.index_cast %mul3A_427 : i32 to index
      %swap3A_429 = tpu.vector_load %arg5[%swap3A_428] {strides = array<i32>} : memref<25600xi32, #tpu.memory_space<vmem>>, vector<16xi32>,
      %swap3A_430 = vector.shape_cast %swap3A_429 : vector<16xi32> to vector<16xi32>
      %swap3A_431 = vector.shape_cast %shift_left3A_425 : vector<16xi32> to vector<16xi32>
      tpu.vector_store %arg5[%swap3A_428], %swap3A_431 {strides = array<i32>} : memref<25600xi32, #tpu.memory_space<vmem>>, vector<16xi32>,
    }
    %scan3A_7 = arith.constant 1600 : i32
    %dma_start3A = arith.constant 0 : i32
    %dma_start3A_8 = arith.constant 0 : i32
    %dma_start3A_9 = arith.constant 0 : i32
    %dma_start3A_10 = arith.constant 0 : i32
    %dma_start3A_11 = tpu.memref_slice %arg6[%dma_start3A, %dma_start3A_9, %dma_start3A_10] : memref<2x800x64xf32, #tpu.memory_space<vmem>> -> memref<1x80x64xf32, #tpu.memory_space<vmem>>
    %dma_start3A_12 = tpu.memref_squeeze %dma_start3A_11 : memref<1x80x64xf32, #tpu.memory_space<vmem>> -> memref<80x64xf32, #tpu.memory_space<vmem>>
    %dma_start3A_13 = arith.constant 0 : i32
    %dma_start3A_14 = tpu.memref_slice %arg5[%dma_start3A_13] : memref<25600xi32, #tpu.memory_space<vmem>> -> memref<80xi32, #tpu.memory_space<vmem>>
    %dma_start3A_15 = arith.constant 0 : i32
    %dma_start3A_16 = arith.constant 0 : i32
    %dma_start3A_17 = tpu.memref_slice %arg3[%dma_start3A_15, %dma_start3A_16] : memref<2000000x64xf32, #tpu.memory_space<hbm>> -> memref<2000000x64xf32, #tpu.memory_space<hbm>>
    %dma_start3A_18 = tpu.memref_slice %arg7[%dma_start3A_8] : memref<2x!tpu.dma_semaphore, #tpu.memory_space<semaphore_mem>> -> memref<1x!tpu.dma_semaphore, #tpu.memory_space<semaphore_mem>>
    %dma_start3A_19 = tpu.memref_squeeze %dma_start3A_18 : memref<1x!tpu.dma_semaphore, #tpu.memory_space<semaphore_mem>> -> memref<!tpu.dma_semaphore, #tpu.memory_space<semaphore_mem>>
    tpu.enqueue_indirect_dma source(%dma_start3A_17 : memref<2000000x64xf32, #tpu.memory_space<hbm>>) target(%dma_start3A_12 : memref<80x64xf32, #tpu.memory_space<vmem>>) offsets(%dma_start3A_14 : memref<80xi32, #tpu.memory_space<vmem>>) semaphore(%dma_start3A_19 : memref<!tpu.dma_semaphore, #tpu.memory_space<semaphore_mem>>)
    %dma_start3A_20 = arith.constant 0 : i32
    %dma_start3A_21 = arith.constant 0 : i32
    %dma_start3A_22 = arith.constant 80 : i32
    %dma_start3A_23 = arith.constant 0 : i32
    %dma_start3A_24 = tpu.memref_slice %arg6[%dma_start3A_20, %dma_start3A_22, %dma_start3A_23] : memref<2x800x64xf32, #tpu.memory_space<vmem>> -> memref<1x80x64xf32, #tpu.memory_space<vmem>>
    %dma_start3A_25 = tpu.memref_squeeze %dma_start3A_24 : memref<1x80x64xf32, #tpu.memory_space<vmem>> -> memref<80x64xf32, #tpu.memory_space<vmem>>
    %dma_start3A_26 = arith.constant 80 : i32
    %dma_start3A_27 = tpu.memref_slice %arg5[%dma_start3A_26] : memref<25600xi32, #tpu.memory_space<vmem>> -> memref<80xi32, #tpu.memory_space<vmem>>
    %dma_start3A_28 = arith.constant 0 : i32
    %dma_start3A_29 = arith.constant 0 : i32
    %dma_start3A_30 = tpu.memref_slice %arg3[%dma_start3A_28, %dma_start3A_29] : memref<2000000x64xf32, #tpu.memory_space<hbm>> -> memref<2000000x64xf32, #tpu.memory_space<hbm>>
    %dma_start3A_31 = tpu.memref_slice %arg7[%dma_start3A_21] : memref<2x!tpu.dma_semaphore, #tpu.memory_space<semaphore_mem>> -> memref<1x!tpu.dma_semaphore, #tpu.memory_space<semaphore_mem>>
    %dma_start3A_32 = tpu.memref_squeeze %dma_start3A_31 : memref<1x!tpu.dma_semaphore, #tpu.memory_space<semaphore_mem>> -> memref<!tpu.dma_semaphore, #tpu.memory_space<semaphore_mem>>
    tpu.enqueue_indirect_dma source(%dma_start3A_30 : memref<2000000x64xf32, #tpu.memory_space<hbm>>) target(%dma_start3A_25 : memref<80x64xf32, #tpu.memory_space<vmem>>) offsets(%dma_start3A_27 : memref<80xi32, #tpu.memory_space<vmem>>) semaphore(%dma_start3A_32 : memref<!tpu.dma_semaphore, #tpu.memory_space<semaphore_mem>>)
    %dma_start3A_33 = arith.constant 0 : i32
    %dma_start3A_34 = arith.constant 0 : i32
    %dma_start3A_35 = arith.constant 160 : i32
    %dma_start3A_36 = arith.constant 0 : i32
    %dma_start3A_37 = tpu.memref_slice %arg6[%dma_start3A_33, %dma_start3A_35, %dma_start3A_36] : memref<2x800x64xf32, #tpu.memory_space<vmem>> -> memref<1x80x64xf32, #tpu.memory_space<vmem>>
    %dma_start3A_38 = tpu.memref_squeeze %dma_start3A_37 : memref<1x80x64xf32, #tpu.memory_space<vmem>> -> memref<80x64xf32, #tpu.memory_space<vmem>>
    %dma_start3A_39 = arith.constant 160 : i32
    %dma_start3A_40 = tpu.memref_slice %arg5[%dma_start3A_39] : memref<25600xi32, #tpu.memory_space<vmem>> -> memref<80xi32, #tpu.memory_space<vmem>>
    %dma_start3A_41 = arith.constant 0 : i32
    %dma_start3A_42 = arith.constant 0 : i32
    %dma_start3A_43 = tpu.memref_slice %arg3[%dma_start3A_41, %dma_start3A_42] : memref<2000000x64xf32, #tpu.memory_space<hbm>> -> memref<2000000x64xf32, #tpu.memory_space<hbm>>
    %dma_start3A_44 = tpu.memref_slice %arg7[%dma_start3A_34] : memref<2x!tpu.dma_semaphore, #tpu.memory_space<semaphore_mem>> -> memref<1x!tpu.dma_semaphore, #tpu.memory_space<semaphore_mem>>
    %dma_start3A_45 = tpu.memref_squeeze %dma_start3A_44 : memref<1x!tpu.dma_semaphore, #tpu.memory_space<semaphore_mem>> -> memref<!tpu.dma_semaphore, #tpu.memory_space<semaphore_mem>>
    tpu.enqueue_indirect_dma source(%dma_start3A_43 : memref<2000000x64xf32, #tpu.memory_space<hbm>>) target(%dma_start3A_38 : memref<80x64xf32, #tpu.memory_space<vmem>>) offsets(%dma_start3A_40 : memref<80xi32, #tpu.memory_space<vmem>>) semaphore(%dma_start3A_45 : memref<!tpu.dma_semaphore, #tpu.memory_space<semaphore_mem>>)
    %dma_start3A_46 = arith.constant 0 : i32
    %dma_start3A_47 = arith.constant 0 : i32
    %dma_start3A_48 = arith.constant 240 : i32
    %dma_start3A_49 = arith.constant 0 : i32
    %dma_start3A_50 = tpu.memref_slice %arg6[%dma_start3A_46, %dma_start3A_48, %dma_start3A_49] : memref<2x800x64xf32, #tpu.memory_space<vmem>> -> memref<1x80x64xf32, #tpu.memory_space<vmem>>
    %dma_start3A_51 = tpu.memref_squeeze %dma_start3A_50 : memref<1x80x64xf32, #tpu.memory_space<vmem>> -> memref<80x64xf32, #tpu.memory_space<vmem>>
    %dma_start3A_52 = arith.constant 240 : i32
    %dma_start3A_53 = tpu.memref_slice %arg5[%dma_start3A_52] : memref<25600xi32, #tpu.memory_space<vmem>> -> memref<80xi32, #tpu.memory_space<vmem>>
    %dma_start3A_54 = arith.constant 0 : i32
    %dma_start3A_55 = arith.constant 0 : i32
    %dma_start3A_56 = tpu.memref_slice %arg3[%dma_start3A_54, %dma_start3A_55] : memref<2000000x64xf32, #tpu.memory_space<hbm>> -> memref<2000000x64xf32, #tpu.memory_space<hbm>>
    %dma_start3A_57 = tpu.memref_slice %arg7[%dma_start3A_47] : memref<2x!tpu.dma_semaphore, #tpu.memory_space<semaphore_mem>> -> memref<1x!tpu.dma_semaphore, #tpu.memory_space<semaphore_mem>>
    %dma_start3A_58 = tpu.memref_squeeze %dma_start3A_57 : memref<1x!tpu.dma_semaphore, #tpu.memory_space<semaphore_mem>> -> memref<!tpu.dma_semaphore, #tpu.memory_space<semaphore_mem>>
    tpu.enqueue_indirect_dma source(%dma_start3A_56 : memref<2000000x64xf32, #tpu.memory_space<hbm>>) target(%dma_start3A_51 : memref<80x64xf32, #tpu.memory_space<vmem>>) offsets(%dma_start3A_53 : memref<80xi32, #tpu.memory_space<vmem>>) semaphore(%dma_start3A_58 : memref<!tpu.dma_semaphore, #tpu.memory_space<semaphore_mem>>)
    %dma_start3A_59 = arith.constant 0 : i32
    %dma_start3A_60 = arith.constant 0 : i32
    %dma_start3A_61 = arith.constant 320 : i32
    %dma_start3A_62 = arith.constant 0 : i32
    %dma_start3A_63 = tpu.memref_slice %arg6[%dma_start3A_59, %dma_start3A_61, %dma_start3A_62] : memref<2x800x64xf32, #tpu.memory_space<vmem>> -> memref<1x80x64xf32, #tpu.memory_space<vmem>>
    %dma_start3A_64 = tpu.memref_squeeze %dma_start3A_63 : memref<1x80x64xf32, #tpu.memory_space<vmem>> -> memref<80x64xf32, #tpu.memory_space<vmem>>
    %dma_start3A_65 = arith.constant 320 : i32
    %dma_start3A_66 = tpu.memref_slice %arg5[%dma_start3A_65] : memref<25600xi32, #tpu.memory_space<vmem>> -> memref<80xi32, #tpu.memory_space<vmem>>
    %dma_start3A_67 = arith.constant 0 : i32
    %dma_start3A_68 = arith.constant 0 : i32
    %dma_start3A_69 = tpu.memref_slice %arg3[%dma_start3A_67, %dma_start3A_68] : memref<2000000x64xf32, #tpu.memory_space<hbm>> -> memref<2000000x64xf32, #tpu.memory_space<hbm>>
    %dma_start3A_70 = tpu.memref_slice %arg7[%dma_start3A_60] : memref<2x!tpu.dma_semaphore, #tpu.memory_space<semaphore_mem>> -> memref<1x!tpu.dma_semaphore, #tpu.memory_space<semaphore_mem>>
    %dma_start3A_71 = tpu.memref_squeeze %dma_start3A_70 : memref<1x!tpu.dma_semaphore, #tpu.memory_space<semaphore_mem>> -> memref<!tpu.dma_semaphore, #tpu.memory_space<semaphore_mem>>
    tpu.enqueue_indirect_dma source(%dma_start3A_69 : memref<2000000x64xf32, #tpu.memory_space<hbm>>) target(%dma_start3A_64 : memref<80x64xf32, #tpu.memory_space<vmem>>) offsets(%dma_start3A_66 : memref<80xi32, #tpu.memory_space<vmem>>) semaphore(%dma_start3A_71 : memref<!tpu.dma_semaphore, #tpu.memory_space<semaphore_mem>>)
    %dma_start3A_72 = arith.constant 0 : i32
    %dma_start3A_73 = arith.constant 0 : i32
    %dma_start3A_74 = arith.constant 400 : i32
    %dma_start3A_75 = arith.constant 0 : i32
    %dma_start3A_76 = tpu.memref_slice %arg6[%dma_start3A_72, %dma_start3A_74, %dma_start3A_75] : memref<2x800x64xf32, #tpu.memory_space<vmem>> -> memref<1x80x64xf32, #tpu.memory_space<vmem>>
    %dma_start3A_77 = tpu.memref_squeeze %dma_start3A_76 : memref<1x80x64xf32, #tpu.memory_space<vmem>> -> memref<80x64xf32, #tpu.memory_space<vmem>>
    %dma_start3A_78 = arith.constant 400 : i32
    %dma_start3A_79 = tpu.memref_slice %arg5[%dma_start3A_78] : memref<25600xi32, #tpu.memory_space<vmem>> -> memref<80xi32, #tpu.memory_space<vmem>>
    %dma_start3A_80 = arith.constant 0 : i32
    %dma_start3A_81 = arith.constant 0 : i32
    %dma_start3A_82 = tpu.memref_slice %arg3[%dma_start3A_80, %dma_start3A_81] : memref<2000000x64xf32, #tpu.memory_space<hbm>> -> memref<2000000x64xf32, #tpu.memory_space<hbm>>
    %dma_start3A_83 = tpu.memref_slice %arg7[%dma_start3A_73] : memref<2x!tpu.dma_semaphore, #tpu.memory_space<semaphore_mem>> -> memref<1x!tpu.dma_semaphore, #tpu.memory_space<semaphore_mem>>
    %dma_start3A_84 = tpu.memref_squeeze %dma_start3A_83 : memref<1x!tpu.dma_semaphore, #tpu.memory_space<semaphore_mem>> -> memref<!tpu.dma_semaphore, #tpu.memory_space<semaphore_mem>>
    tpu.enqueue_indirect_dma source(%dma_start3A_82 : memref<2000000x64xf32, #tpu.memory_space<hbm>>) target(%dma_start3A_77 : memref<80x64xf32, #tpu.memory_space<vmem>>) offsets(%dma_start3A_79 : memref<80xi32, #tpu.memory_space<vmem>>) semaphore(%dma_start3A_84 : memref<!tpu.dma_semaphore, #tpu.memory_space<semaphore_mem>>)
    %dma_start3A_85 = arith.constant 0 : i32
    %dma_start3A_86 = arith.constant 0 : i32
    %dma_start3A_87 = arith.constant 480 : i32
    %dma_start3A_88 = arith.constant 0 : i32
    %dma_start3A_89 = tpu.memref_slice %arg6[%dma_start3A_85, %dma_start3A_87, %dma_start3A_88] : memref<2x800x64xf32, #tpu.memory_space<vmem>> -> memref<1x80x64xf32, #tpu.memory_space<vmem>>
    %dma_start3A_90 = tpu.memref_squeeze %dma_start3A_89 : memref<1x80x64xf32, #tpu.memory_space<vmem>> -> memref<80x64xf32, #tpu.memory_space<vmem>>
    %dma_start3A_91 = arith.constant 480 : i32
    %dma_start3A_92 = tpu.memref_slice %arg5[%dma_start3A_91] : memref<25600xi32, #tpu.memory_space<vmem>> -> memref<80xi32, #tpu.memory_space<vmem>>
    %dma_start3A_93 = arith.constant 0 : i32
    %dma_start3A_94 = arith.constant 0 : i32
    %dma_start3A_95 = tpu.memref_slice %arg3[%dma_start3A_93, %dma_start3A_94] : memref<2000000x64xf32, #tpu.memory_space<hbm>> -> memref<2000000x64xf32, #tpu.memory_space<hbm>>
    %dma_start3A_96 = tpu.memref_slice %arg7[%dma_start3A_86] : memref<2x!tpu.dma_semaphore, #tpu.memory_space<semaphore_mem>> -> memref<1x!tpu.dma_semaphore, #tpu.memory_space<semaphore_mem>>
    %dma_start3A_97 = tpu.memref_squeeze %dma_start3A_96 : memref<1x!tpu.dma_semaphore, #tpu.memory_space<semaphore_mem>> -> memref<!tpu.dma_semaphore, #tpu.memory_space<semaphore_mem>>
    tpu.enqueue_indirect_dma source(%dma_start3A_95 : memref<2000000x64xf32, #tpu.memory_space<hbm>>) target(%dma_start3A_90 : memref<80x64xf32, #tpu.memory_space<vmem>>) offsets(%dma_start3A_92 : memref<80xi32, #tpu.memory_space<vmem>>) semaphore(%dma_start3A_97 : memref<!tpu.dma_semaphore, #tpu.memory_space<semaphore_mem>>)
    %dma_start3A_98 = arith.constant 0 : i32
    %dma_start3A_99 = arith.constant 0 : i32
    %dma_start3A_100 = arith.constant 560 : i32
    %dma_start3A_101 = arith.constant 0 : i32
    %dma_start3A_102 = tpu.memref_slice %arg6[%dma_start3A_98, %dma_start3A_100, %dma_start3A_101] : memref<2x800x64xf32, #tpu.memory_space<vmem>> -> memref<1x80x64xf32, #tpu.memory_space<vmem>>
    %dma_start3A_103 = tpu.memref_squeeze %dma_start3A_102 : memref<1x80x64xf32, #tpu.memory_space<vmem>> -> memref<80x64xf32, #tpu.memory_space<vmem>>
    %dma_start3A_104 = arith.constant 560 : i32
    %dma_start3A_105 = tpu.memref_slice %arg5[%dma_start3A_104] : memref<25600xi32, #tpu.memory_space<vmem>> -> memref<80xi32, #tpu.memory_space<vmem>>
    %dma_start3A_106 = arith.constant 0 : i32
    %dma_start3A_107 = arith.constant 0 : i32
    %dma_start3A_108 = tpu.memref_slice %arg3[%dma_start3A_106, %dma_start3A_107] : memref<2000000x64xf32, #tpu.memory_space<hbm>> -> memref<2000000x64xf32, #tpu.memory_space<hbm>>
    %dma_start3A_109 = tpu.memref_slice %arg7[%dma_start3A_99] : memref<2x!tpu.dma_semaphore, #tpu.memory_space<semaphore_mem>> -> memref<1x!tpu.dma_semaphore, #tpu.memory_space<semaphore_mem>>
    %dma_start3A_110 = tpu.memref_squeeze %dma_start3A_109 : memref<1x!tpu.dma_semaphore, #tpu.memory_space<semaphore_mem>> -> memref<!tpu.dma_semaphore, #tpu.memory_space<semaphore_mem>>
    tpu.enqueue_indirect_dma source(%dma_start3A_108 : memref<2000000x64xf32, #tpu.memory_space<hbm>>) target(%dma_start3A_103 : memref<80x64xf32, #tpu.memory_space<vmem>>) offsets(%dma_start3A_105 : memref<80xi32, #tpu.memory_space<vmem>>) semaphore(%dma_start3A_110 : memref<!tpu.dma_semaphore, #tpu.memory_space<semaphore_mem>>)
    %dma_start3A_111 = arith.constant 0 : i32
    %dma_start3A_112 = arith.constant 0 : i32
    %dma_start3A_113 = arith.constant 640 : i32
    %dma_start3A_114 = arith.constant 0 : i32
    %dma_start3A_115 = tpu.memref_slice %arg6[%dma_start3A_111, %dma_start3A_113, %dma_start3A_114] : memref<2x800x64xf32, #tpu.memory_space<vmem>> -> memref<1x80x64xf32, #tpu.memory_space<vmem>>
    %dma_start3A_116 = tpu.memref_squeeze %dma_start3A_115 : memref<1x80x64xf32, #tpu.memory_space<vmem>> -> memref<80x64xf32, #tpu.memory_space<vmem>>
    %dma_start3A_117 = arith.constant 640 : i32
    %dma_start3A_118 = tpu.memref_slice %arg5[%dma_start3A_117] : memref<25600xi32, #tpu.memory_space<vmem>> -> memref<80xi32, #tpu.memory_space<vmem>>
    %dma_start3A_119 = arith.constant 0 : i32
    %dma_start3A_120 = arith.constant 0 : i32
    %dma_start3A_121 = tpu.memref_slice %arg3[%dma_start3A_119, %dma_start3A_120] : memref<2000000x64xf32, #tpu.memory_space<hbm>> -> memref<2000000x64xf32, #tpu.memory_space<hbm>>
    %dma_start3A_122 = tpu.memref_slice %arg7[%dma_start3A_112] : memref<2x!tpu.dma_semaphore, #tpu.memory_space<semaphore_mem>> -> memref<1x!tpu.dma_semaphore, #tpu.memory_space<semaphore_mem>>
    %dma_start3A_123 = tpu.memref_squeeze %dma_start3A_122 : memref<1x!tpu.dma_semaphore, #tpu.memory_space<semaphore_mem>> -> memref<!tpu.dma_semaphore, #tpu.memory_space<semaphore_mem>>
    tpu.enqueue_indirect_dma source(%dma_start3A_121 : memref<2000000x64xf32, #tpu.memory_space<hbm>>) target(%dma_start3A_116 : memref<80x64xf32, #tpu.memory_space<vmem>>) offsets(%dma_start3A_118 : memref<80xi32, #tpu.memory_space<vmem>>) semaphore(%dma_start3A_123 : memref<!tpu.dma_semaphore, #tpu.memory_space<semaphore_mem>>)
    %dma_start3A_124 = arith.constant 0 : i32
    %dma_start3A_125 = arith.constant 0 : i32
    %dma_start3A_126 = arith.constant 720 : i32
    %dma_start3A_127 = arith.constant 0 : i32
    %dma_start3A_128 = tpu.memref_slice %arg6[%dma_start3A_124, %dma_start3A_126, %dma_start3A_127] : memref<2x800x64xf32, #tpu.memory_space<vmem>> -> memref<1x80x64xf32, #tpu.memory_space<vmem>>
    %dma_start3A_129 = tpu.memref_squeeze %dma_start3A_128 : memref<1x80x64xf32, #tpu.memory_space<vmem>> -> memref<80x64xf32, #tpu.memory_space<vmem>>
    %dma_start3A_130 = arith.constant 720 : i32
    %dma_start3A_131 = tpu.memref_slice %arg5[%dma_start3A_130] : memref<25600xi32, #tpu.memory_space<vmem>> -> memref<80xi32, #tpu.memory_space<vmem>>
    %dma_start3A_132 = arith.constant 0 : i32
    %dma_start3A_133 = arith.constant 0 : i32
    %dma_start3A_134 = tpu.memref_slice %arg3[%dma_start3A_132, %dma_start3A_133] : memref<2000000x64xf32, #tpu.memory_space<hbm>> -> memref<2000000x64xf32, #tpu.memory_space<hbm>>
    %dma_start3A_135 = tpu.memref_slice %arg7[%dma_start3A_125] : memref<2x!tpu.dma_semaphore, #tpu.memory_space<semaphore_mem>> -> memref<1x!tpu.dma_semaphore, #tpu.memory_space<semaphore_mem>>
    %dma_start3A_136 = tpu.memref_squeeze %dma_start3A_135 : memref<1x!tpu.dma_semaphore, #tpu.memory_space<semaphore_mem>> -> memref<!tpu.dma_semaphore, #tpu.memory_space<semaphore_mem>>
    tpu.enqueue_indirect_dma source(%dma_start3A_134 : memref<2000000x64xf32, #tpu.memory_space<hbm>>) target(%dma_start3A_129 : memref<80x64xf32, #tpu.memory_space<vmem>>) offsets(%dma_start3A_131 : memref<80xi32, #tpu.memory_space<vmem>>) semaphore(%dma_start3A_136 : memref<!tpu.dma_semaphore, #tpu.memory_space<semaphore_mem>>)
    %dma_start3A_137 = arith.constant 1 : i32
    %dma_start3A_138 = arith.constant 1 : i32
    %dma_start3A_139 = arith.constant 0 : i32
    %dma_start3A_140 = arith.constant 0 : i32
    %dma_start3A_141 = tpu.memref_slice %arg6[%dma_start3A_137, %dma_start3A_139, %dma_start3A_140] : memref<2x800x64xf32, #tpu.memory_space<vmem>> -> memref<1x80x64xf32, #tpu.memory_space<vmem>>
    %dma_start3A_142 = tpu.memref_squeeze %dma_start3A_141 : memref<1x80x64xf32, #tpu.memory_space<vmem>> -> memref<80x64xf32, #tpu.memory_space<vmem>>
    %dma_start3A_143 = arith.constant 800 : i32
    %dma_start3A_144 = tpu.memref_slice %arg5[%dma_start3A_143] : memref<25600xi32, #tpu.memory_space<vmem>> -> memref<80xi32, #tpu.memory_space<vmem>>
    %dma_start3A_145 = arith.constant 0 : i32
    %dma_start3A_146 = arith.constant 0 : i32
    %dma_start3A_147 = tpu.memref_slice %arg3[%dma_start3A_145, %dma_start3A_146] : memref<2000000x64xf32, #tpu.memory_space<hbm>> -> memref<2000000x64xf32, #tpu.memory_space<hbm>>
    %dma_start3A_148 = tpu.memref_slice %arg7[%dma_start3A_138] : memref<2x!tpu.dma_semaphore, #tpu.memory_space<semaphore_mem>> -> memref<1x!tpu.dma_semaphore, #tpu.memory_space<semaphore_mem>>
    %dma_start3A_149 = tpu.memref_squeeze %dma_start3A_148 : memref<1x!tpu.dma_semaphore, #tpu.memory_space<semaphore_mem>> -> memref<!tpu.dma_semaphore, #tpu.memory_space<semaphore_mem>>
    tpu.enqueue_indirect_dma source(%dma_start3A_147 : memref<2000000x64xf32, #tpu.memory_space<hbm>>) target(%dma_start3A_142 : memref<80x64xf32, #tpu.memory_space<vmem>>) offsets(%dma_start3A_144 : memref<80xi32, #tpu.memory_space<vmem>>) semaphore(%dma_start3A_149 : memref<!tpu.dma_semaphore, #tpu.memory_space<semaphore_mem>>)
    %dma_start3A_150 = arith.constant 1 : i32
    %dma_start3A_151 = arith.constant 1 : i32
    %dma_start3A_152 = arith.constant 80 : i32
    %dma_start3A_153 = arith.constant 0 : i32
    %dma_start3A_154 = tpu.memref_slice %arg6[%dma_start3A_150, %dma_start3A_152, %dma_start3A_153] : memref<2x800x64xf32, #tpu.memory_space<vmem>> -> memref<1x80x64xf32, #tpu.memory_space<vmem>>
    %dma_start3A_155 = tpu.memref_squeeze %dma_start3A_154 : memref<1x80x64xf32, #tpu.memory_space<vmem>> -> memref<80x64xf32, #tpu.memory_space<vmem>>
    %dma_start3A_156 = arith.constant 880 : i32
    %dma_start3A_157 = tpu.memref_slice %arg5[%dma_start3A_156] : memref<25600xi32, #tpu.memory_space<vmem>> -> memref<80xi32, #tpu.memory_space<vmem>>
    %dma_start3A_158 = arith.constant 0 : i32
    %dma_start3A_159 = arith.constant 0 : i32
    %dma_start3A_160 = tpu.memref_slice %arg3[%dma_start3A_158, %dma_start3A_159] : memref<2000000x64xf32, #tpu.memory_space<hbm>> -> memref<2000000x64xf32, #tpu.memory_space<hbm>>
    %dma_start3A_161 = tpu.memref_slice %arg7[%dma_start3A_151] : memref<2x!tpu.dma_semaphore, #tpu.memory_space<semaphore_mem>> -> memref<1x!tpu.dma_semaphore, #tpu.memory_space<semaphore_mem>>
    %dma_start3A_162 = tpu.memref_squeeze %dma_start3A_161 : memref<1x!tpu.dma_semaphore, #tpu.memory_space<semaphore_mem>> -> memref<!tpu.dma_semaphore, #tpu.memory_space<semaphore_mem>>
    tpu.enqueue_indirect_dma source(%dma_start3A_160 : memref<2000000x64xf32, #tpu.memory_space<hbm>>) target(%dma_start3A_155 : memref<80x64xf32, #tpu.memory_space<vmem>>) offsets(%dma_start3A_157 : memref<80xi32, #tpu.memory_space<vmem>>) semaphore(%dma_start3A_162 : memref<!tpu.dma_semaphore, #tpu.memory_space<semaphore_mem>>)
    %dma_start3A_163 = arith.constant 1 : i32
    %dma_start3A_164 = arith.constant 1 : i32
    %dma_start3A_165 = arith.constant 160 : i32
    %dma_start3A_166 = arith.constant 0 : i32
    %dma_start3A_167 = tpu.memref_slice %arg6[%dma_start3A_163, %dma_start3A_165, %dma_start3A_166] : memref<2x800x64xf32, #tpu.memory_space<vmem>> -> memref<1x80x64xf32, #tpu.memory_space<vmem>>
    %dma_start3A_168 = tpu.memref_squeeze %dma_start3A_167 : memref<1x80x64xf32, #tpu.memory_space<vmem>> -> memref<80x64xf32, #tpu.memory_space<vmem>>
    %dma_start3A_169 = arith.constant 960 : i32
    %dma_start3A_170 = tpu.memref_slice %arg5[%dma_start3A_169] : memref<25600xi32, #tpu.memory_space<vmem>> -> memref<80xi32, #tpu.memory_space<vmem>>
    %dma_start3A_171 = arith.constant 0 : i32
    %dma_start3A_172 = arith.constant 0 : i32
    %dma_start3A_173 = tpu.memref_slice %arg3[%dma_start3A_171, %dma_start3A_172] : memref<2000000x64xf32, #tpu.memory_space<hbm>> -> memref<2000000x64xf32, #tpu.memory_space<hbm>>
    %dma_start3A_174 = tpu.memref_slice %arg7[%dma_start3A_164] : memref<2x!tpu.dma_semaphore, #tpu.memory_space<semaphore_mem>> -> memref<1x!tpu.dma_semaphore, #tpu.memory_space<semaphore_mem>>
    %dma_start3A_175 = tpu.memref_squeeze %dma_start3A_174 : memref<1x!tpu.dma_semaphore, #tpu.memory_space<semaphore_mem>> -> memref<!tpu.dma_semaphore, #tpu.memory_space<semaphore_mem>>
    tpu.enqueue_indirect_dma source(%dma_start3A_173 : memref<2000000x64xf32, #tpu.memory_space<hbm>>) target(%dma_start3A_168 : memref<80x64xf32, #tpu.memory_space<vmem>>) offsets(%dma_start3A_170 : memref<80xi32, #tpu.memory_space<vmem>>) semaphore(%dma_start3A_175 : memref<!tpu.dma_semaphore, #tpu.memory_space<semaphore_mem>>)
    %dma_start3A_176 = arith.constant 1 : i32
    %dma_start3A_177 = arith.constant 1 : i32
    %dma_start3A_178 = arith.constant 240 : i32
    %dma_start3A_179 = arith.constant 0 : i32
    %dma_start3A_180 = tpu.memref_slice %arg6[%dma_start3A_176, %dma_start3A_178, %dma_start3A_179] : memref<2x800x64xf32, #tpu.memory_space<vmem>> -> memref<1x80x64xf32, #tpu.memory_space<vmem>>
    %dma_start3A_181 = tpu.memref_squeeze %dma_start3A_180 : memref<1x80x64xf32, #tpu.memory_space<vmem>> -> memref<80x64xf32, #tpu.memory_space<vmem>>
    %dma_start3A_182 = arith.constant 1040 : i32
    %dma_start3A_183 = tpu.memref_slice %arg5[%dma_start3A_182] : memref<25600xi32, #tpu.memory_space<vmem>> -> memref<80xi32, #tpu.memory_space<vmem>>
    %dma_start3A_184 = arith.constant 0 : i32
    %dma_start3A_185 = arith.constant 0 : i32
    %dma_start3A_186 = tpu.memref_slice %arg3[%dma_start3A_184, %dma_start3A_185] : memref<2000000x64xf32, #tpu.memory_space<hbm>> -> memref<2000000x64xf32, #tpu.memory_space<hbm>>
    %dma_start3A_187 = tpu.memref_slice %arg7[%dma_start3A_177] : memref<2x!tpu.dma_semaphore, #tpu.memory_space<semaphore_mem>> -> memref<1x!tpu.dma_semaphore, #tpu.memory_space<semaphore_mem>>
    %dma_start3A_188 = tpu.memref_squeeze %dma_start3A_187 : memref<1x!tpu.dma_semaphore, #tpu.memory_space<semaphore_mem>> -> memref<!tpu.dma_semaphore, #tpu.memory_space<semaphore_mem>>
    tpu.enqueue_indirect_dma source(%dma_start3A_186 : memref<2000000x64xf32, #tpu.memory_space<hbm>>) target(%dma_start3A_181 : memref<80x64xf32, #tpu.memory_space<vmem>>) offsets(%dma_start3A_183 : memref<80xi32, #tpu.memory_space<vmem>>) semaphore(%dma_start3A_188 : memref<!tpu.dma_semaphore, #tpu.memory_space<semaphore_mem>>)
    %dma_start3A_189 = arith.constant 1 : i32
    %dma_start3A_190 = arith.constant 1 : i32
    %dma_start3A_191 = arith.constant 320 : i32
    %dma_start3A_192 = arith.constant 0 : i32
    %dma_start3A_193 = tpu.memref_slice %arg6[%dma_start3A_189, %dma_start3A_191, %dma_start3A_192] : memref<2x800x64xf32, #tpu.memory_space<vmem>> -> memref<1x80x64xf32, #tpu.memory_space<vmem>>
    %dma_start3A_194 = tpu.memref_squeeze %dma_start3A_193 : memref<1x80x64xf32, #tpu.memory_space<vmem>> -> memref<80x64xf32, #tpu.memory_space<vmem>>
    %dma_start3A_195 = arith.constant 1120 : i32
    %dma_start3A_196 = tpu.memref_slice %arg5[%dma_start3A_195] : memref<25600xi32, #tpu.memory_space<vmem>> -> memref<80xi32, #tpu.memory_space<vmem>>
    %dma_start3A_197 = arith.constant 0 : i32
    %dma_start3A_198 = arith.constant 0 : i32
    %dma_start3A_199 = tpu.memref_slice %arg3[%dma_start3A_197, %dma_start3A_198] : memref<2000000x64xf32, #tpu.memory_space<hbm>> -> memref<2000000x64xf32, #tpu.memory_space<hbm>>
    %dma_start3A_200 = tpu.memref_slice %arg7[%dma_start3A_190] : memref<2x!tpu.dma_semaphore, #tpu.memory_space<semaphore_mem>> -> memref<1x!tpu.dma_semaphore, #tpu.memory_space<semaphore_mem>>
    %dma_start3A_201 = tpu.memref_squeeze %dma_start3A_200 : memref<1x!tpu.dma_semaphore, #tpu.memory_space<semaphore_mem>> -> memref<!tpu.dma_semaphore, #tpu.memory_space<semaphore_mem>>
    tpu.enqueue_indirect_dma source(%dma_start3A_199 : memref<2000000x64xf32, #tpu.memory_space<hbm>>) target(%dma_start3A_194 : memref<80x64xf32, #tpu.memory_space<vmem>>) offsets(%dma_start3A_196 : memref<80xi32, #tpu.memory_space<vmem>>) semaphore(%dma_start3A_201 : memref<!tpu.dma_semaphore, #tpu.memory_space<semaphore_mem>>)
    %dma_start3A_202 = arith.constant 1 : i32
    %dma_start3A_203 = arith.constant 1 : i32
    %dma_start3A_204 = arith.constant 400 : i32
    %dma_start3A_205 = arith.constant 0 : i32
    %dma_start3A_206 = tpu.memref_slice %arg6[%dma_start3A_202, %dma_start3A_204, %dma_start3A_205] : memref<2x800x64xf32, #tpu.memory_space<vmem>> -> memref<1x80x64xf32, #tpu.memory_space<vmem>>
    %dma_start3A_207 = tpu.memref_squeeze %dma_start3A_206 : memref<1x80x64xf32, #tpu.memory_space<vmem>> -> memref<80x64xf32, #tpu.memory_space<vmem>>
    %dma_start3A_208 = arith.constant 1200 : i32
    %dma_start3A_209 = tpu.memref_slice %arg5[%dma_start3A_208] : memref<25600xi32, #tpu.memory_space<vmem>> -> memref<80xi32, #tpu.memory_space<vmem>>
    %dma_start3A_210 = arith.constant 0 : i32
    %dma_start3A_211 = arith.constant 0 : i32
    %dma_start3A_212 = tpu.memref_slice %arg3[%dma_start3A_210, %dma_start3A_211] : memref<2000000x64xf32, #tpu.memory_space<hbm>> -> memref<2000000x64xf32, #tpu.memory_space<hbm>>
    %dma_start3A_213 = tpu.memref_slice %arg7[%dma_start3A_203] : memref<2x!tpu.dma_semaphore, #tpu.memory_space<semaphore_mem>> -> memref<1x!tpu.dma_semaphore, #tpu.memory_space<semaphore_mem>>
    %dma_start3A_214 = tpu.memref_squeeze %dma_start3A_213 : memref<1x!tpu.dma_semaphore, #tpu.memory_space<semaphore_mem>> -> memref<!tpu.dma_semaphore, #tpu.memory_space<semaphore_mem>>
    tpu.enqueue_indirect_dma source(%dma_start3A_212 : memref<2000000x64xf32, #tpu.memory_space<hbm>>) target(%dma_start3A_207 : memref<80x64xf32, #tpu.memory_space<vmem>>) offsets(%dma_start3A_209 : memref<80xi32, #tpu.memory_space<vmem>>) semaphore(%dma_start3A_214 : memref<!tpu.dma_semaphore, #tpu.memory_space<semaphore_mem>>)
    %dma_start3A_215 = arith.constant 1 : i32
    %dma_start3A_216 = arith.constant 1 : i32
    %dma_start3A_217 = arith.constant 480 : i32
    %dma_start3A_218 = arith.constant 0 : i32
    %dma_start3A_219 = tpu.memref_slice %arg6[%dma_start3A_215, %dma_start3A_217, %dma_start3A_218] : memref<2x800x64xf32, #tpu.memory_space<vmem>> -> memref<1x80x64xf32, #tpu.memory_space<vmem>>
    %dma_start3A_220 = tpu.memref_squeeze %dma_start3A_219 : memref<1x80x64xf32, #tpu.memory_space<vmem>> -> memref<80x64xf32, #tpu.memory_space<vmem>>
    %dma_start3A_221 = arith.constant 1280 : i32
    %dma_start3A_222 = tpu.memref_slice %arg5[%dma_start3A_221] : memref<25600xi32, #tpu.memory_space<vmem>> -> memref<80xi32, #tpu.memory_space<vmem>>
    %dma_start3A_223 = arith.constant 0 : i32
    %dma_start3A_224 = arith.constant 0 : i32
    %dma_start3A_225 = tpu.memref_slice %arg3[%dma_start3A_223, %dma_start3A_224] : memref<2000000x64xf32, #tpu.memory_space<hbm>> -> memref<2000000x64xf32, #tpu.memory_space<hbm>>
    %dma_start3A_226 = tpu.memref_slice %arg7[%dma_start3A_216] : memref<2x!tpu.dma_semaphore, #tpu.memory_space<semaphore_mem>> -> memref<1x!tpu.dma_semaphore, #tpu.memory_space<semaphore_mem>>
    %dma_start3A_227 = tpu.memref_squeeze %dma_start3A_226 : memref<1x!tpu.dma_semaphore, #tpu.memory_space<semaphore_mem>> -> memref<!tpu.dma_semaphore, #tpu.memory_space<semaphore_mem>>
    tpu.enqueue_indirect_dma source(%dma_start3A_225 : memref<2000000x64xf32, #tpu.memory_space<hbm>>) target(%dma_start3A_220 : memref<80x64xf32, #tpu.memory_space<vmem>>) offsets(%dma_start3A_222 : memref<80xi32, #tpu.memory_space<vmem>>) semaphore(%dma_start3A_227 : memref<!tpu.dma_semaphore, #tpu.memory_space<semaphore_mem>>)
    %dma_start3A_228 = arith.constant 1 : i32
    %dma_start3A_229 = arith.constant 1 : i32
    %dma_start3A_230 = arith.constant 560 : i32
    %dma_start3A_231 = arith.constant 0 : i32
    %dma_start3A_232 = tpu.memref_slice %arg6[%dma_start3A_228, %dma_start3A_230, %dma_start3A_231] : memref<2x800x64xf32, #tpu.memory_space<vmem>> -> memref<1x80x64xf32, #tpu.memory_space<vmem>>
    %dma_start3A_233 = tpu.memref_squeeze %dma_start3A_232 : memref<1x80x64xf32, #tpu.memory_space<vmem>> -> memref<80x64xf32, #tpu.memory_space<vmem>>
    %dma_start3A_234 = arith.constant 1360 : i32
    %dma_start3A_235 = tpu.memref_slice %arg5[%dma_start3A_234] : memref<25600xi32, #tpu.memory_space<vmem>> -> memref<80xi32, #tpu.memory_space<vmem>>
    %dma_start3A_236 = arith.constant 0 : i32
    %dma_start3A_237 = arith.constant 0 : i32
    %dma_start3A_238 = tpu.memref_slice %arg3[%dma_start3A_236, %dma_start3A_237] : memref<2000000x64xf32, #tpu.memory_space<hbm>> -> memref<2000000x64xf32, #tpu.memory_space<hbm>>
    %dma_start3A_239 = tpu.memref_slice %arg7[%dma_start3A_229] : memref<2x!tpu.dma_semaphore, #tpu.memory_space<semaphore_mem>> -> memref<1x!tpu.dma_semaphore, #tpu.memory_space<semaphore_mem>>
    %dma_start3A_240 = tpu.memref_squeeze %dma_start3A_239 : memref<1x!tpu.dma_semaphore, #tpu.memory_space<semaphore_mem>> -> memref<!tpu.dma_semaphore, #tpu.memory_space<semaphore_mem>>
    tpu.enqueue_indirect_dma source(%dma_start3A_238 : memref<2000000x64xf32, #tpu.memory_space<hbm>>) target(%dma_start3A_233 : memref<80x64xf32, #tpu.memory_space<vmem>>) offsets(%dma_start3A_235 : memref<80xi32, #tpu.memory_space<vmem>>) semaphore(%dma_start3A_240 : memref<!tpu.dma_semaphore, #tpu.memory_space<semaphore_mem>>)
    %dma_start3A_241 = arith.constant 1 : i32
    %dma_start3A_242 = arith.constant 1 : i32
    %dma_start3A_243 = arith.constant 640 : i32
    %dma_start3A_244 = arith.constant 0 : i32
    %dma_start3A_245 = tpu.memref_slice %arg6[%dma_start3A_241, %dma_start3A_243, %dma_start3A_244] : memref<2x800x64xf32, #tpu.memory_space<vmem>> -> memref<1x80x64xf32, #tpu.memory_space<vmem>>
    %dma_start3A_246 = tpu.memref_squeeze %dma_start3A_245 : memref<1x80x64xf32, #tpu.memory_space<vmem>> -> memref<80x64xf32, #tpu.memory_space<vmem>>
    %dma_start3A_247 = arith.constant 1440 : i32
    %dma_start3A_248 = tpu.memref_slice %arg5[%dma_start3A_247] : memref<25600xi32, #tpu.memory_space<vmem>> -> memref<80xi32, #tpu.memory_space<vmem>>
    %dma_start3A_249 = arith.constant 0 : i32
    %dma_start3A_250 = arith.constant 0 : i32
    %dma_start3A_251 = tpu.memref_slice %arg3[%dma_start3A_249, %dma_start3A_250] : memref<2000000x64xf32, #tpu.memory_space<hbm>> -> memref<2000000x64xf32, #tpu.memory_space<hbm>>
    %dma_start3A_252 = tpu.memref_slice %arg7[%dma_start3A_242] : memref<2x!tpu.dma_semaphore, #tpu.memory_space<semaphore_mem>> -> memref<1x!tpu.dma_semaphore, #tpu.memory_space<semaphore_mem>>
    %dma_start3A_253 = tpu.memref_squeeze %dma_start3A_252 : memref<1x!tpu.dma_semaphore, #tpu.memory_space<semaphore_mem>> -> memref<!tpu.dma_semaphore, #tpu.memory_space<semaphore_mem>>
    tpu.enqueue_indirect_dma source(%dma_start3A_251 : memref<2000000x64xf32, #tpu.memory_space<hbm>>) target(%dma_start3A_246 : memref<80x64xf32, #tpu.memory_space<vmem>>) offsets(%dma_start3A_248 : memref<80xi32, #tpu.memory_space<vmem>>) semaphore(%dma_start3A_253 : memref<!tpu.dma_semaphore, #tpu.memory_space<semaphore_mem>>)
    %dma_start3A_254 = arith.constant 1 : i32
    %dma_start3A_255 = arith.constant 1 : i32
    %dma_start3A_256 = arith.constant 720 : i32
    %dma_start3A_257 = arith.constant 0 : i32
    %dma_start3A_258 = tpu.memref_slice %arg6[%dma_start3A_254, %dma_start3A_256, %dma_start3A_257] : memref<2x800x64xf32, #tpu.memory_space<vmem>> -> memref<1x80x64xf32, #tpu.memory_space<vmem>>
    %dma_start3A_259 = tpu.memref_squeeze %dma_start3A_258 : memref<1x80x64xf32, #tpu.memory_space<vmem>> -> memref<80x64xf32, #tpu.memory_space<vmem>>
    %dma_start3A_260 = arith.constant 1520 : i32
    %dma_start3A_261 = tpu.memref_slice %arg5[%dma_start3A_260] : memref<25600xi32, #tpu.memory_space<vmem>> -> memref<80xi32, #tpu.memory_space<vmem>>
    %dma_start3A_262 = arith.constant 0 : i32
    %dma_start3A_263 = arith.constant 0 : i32
    %dma_start3A_264 = tpu.memref_slice %arg3[%dma_start3A_262, %dma_start3A_263] : memref<2000000x64xf32, #tpu.memory_space<hbm>> -> memref<2000000x64xf32, #tpu.memory_space<hbm>>
    %dma_start3A_265 = tpu.memref_slice %arg7[%dma_start3A_255] : memref<2x!tpu.dma_semaphore, #tpu.memory_space<semaphore_mem>> -> memref<1x!tpu.dma_semaphore, #tpu.memory_space<semaphore_mem>>
    %dma_start3A_266 = tpu.memref_squeeze %dma_start3A_265 : memref<1x!tpu.dma_semaphore, #tpu.memory_space<semaphore_mem>> -> memref<!tpu.dma_semaphore, #tpu.memory_space<semaphore_mem>>
    tpu.enqueue_indirect_dma source(%dma_start3A_264 : memref<2000000x64xf32, #tpu.memory_space<hbm>>) target(%dma_start3A_259 : memref<80x64xf32, #tpu.memory_space<vmem>>) offsets(%dma_start3A_261 : memref<80xi32, #tpu.memory_space<vmem>>) semaphore(%dma_start3A_266 : memref<!tpu.dma_semaphore, #tpu.memory_space<semaphore_mem>>)
    %scan3A_267 = arith.constant 0 : i32
    %scan3A_268 = arith.constant 0 : i32
    %scan3A_269 = arith.constant 16 : i32
    %scan3A_270 = arith.addi %scan3A_268, %scan3A_269 : i32
    %scan3A_271 = arith.constant 1 : i32
    scf.for %scan3A_308 = %scan3A_268 to %scan3A_270 step %scan3A_271  : i32 {
      %mul3A_309 = arith.constant 2 : i32
      %mul3A_310 = arith.muli %scan3A_308, %mul3A_309 : i32
      %add3A_311 = arith.constant 0 : i32
      %add3A_312 = arith.addi %mul3A_310, %add3A_311 : i32
      %mul3A_313 = arith.constant 800 : i32
      %mul3A_314 = arith.muli %add3A_312, %mul3A_313 : i32
      %add3A_315 = arith.constant 0 : i32
      %add3A_316 = arith.addi %mul3A_314, %add3A_315 : i32
      %dma_wait3A_317 = arith.constant 0 : i32
      %dma_wait3A_318 = arith.constant 0 : i32
      %dma_wait3A_319 = arith.constant 0 : i32
      %dma_wait3A_320 = arith.constant 0 : i32
      %dma_wait3A_321 = tpu.memref_slice %arg6[%dma_wait3A_317, %dma_wait3A_319, %dma_wait3A_320] : memref<2x800x64xf32, #tpu.memory_space<vmem>> -> memref<1x80x64xf32, #tpu.memory_space<vmem>>
      %dma_wait3A_322 = tpu.memref_squeeze %dma_wait3A_321 : memref<1x80x64xf32, #tpu.memory_space<vmem>> -> memref<80x64xf32, #tpu.memory_space<vmem>>
      %dma_wait3A_323 = tpu.memref_slice %arg5[%add3A_316] : memref<25600xi32, #tpu.memory_space<vmem>> -> memref<80xi32, #tpu.memory_space<vmem>>
      %dma_wait3A_324 = arith.constant 0 : i32
      %dma_wait3A_325 = arith.constant 0 : i32
      %dma_wait3A_326 = tpu.memref_slice %arg3[%dma_wait3A_324, %dma_wait3A_325] : memref<2000000x64xf32, #tpu.memory_space<hbm>> -> memref<2000000x64xf32, #tpu.memory_space<hbm>>
      %dma_wait3A_327 = tpu.memref_slice %arg7[%dma_wait3A_318] : memref<2x!tpu.dma_semaphore, #tpu.memory_space<semaphore_mem>> -> memref<1x!tpu.dma_semaphore, #tpu.memory_space<semaphore_mem>>
      %dma_wait3A_328 = tpu.memref_squeeze %dma_wait3A_327 : memref<1x!tpu.dma_semaphore, #tpu.memory_space<semaphore_mem>> -> memref<!tpu.dma_semaphore, #tpu.memory_space<semaphore_mem>>
      tpu.wait_indirect_dma semaphore(%dma_wait3A_328 : memref<!tpu.dma_semaphore, #tpu.memory_space<semaphore_mem>>) src(%dma_wait3A_326 : memref<2000000x64xf32, #tpu.memory_space<hbm>>) dst(%dma_wait3A_322 : memref<80x64xf32, #tpu.memory_space<vmem>>)
      %mul3A_329 = arith.constant 800 : i32
      %mul3A_330 = arith.muli %add3A_312, %mul3A_329 : i32
      %add3A_331 = arith.constant 80 : i32
      %add3A_332 = arith.addi %mul3A_330, %add3A_331 : i32
      %dma_wait3A_333 = arith.constant 0 : i32
      %dma_wait3A_334 = arith.constant 0 : i32
      %dma_wait3A_335 = arith.constant 80 : i32
      %dma_wait3A_336 = arith.constant 0 : i32
      %dma_wait3A_337 = tpu.memref_slice %arg6[%dma_wait3A_333, %dma_wait3A_335, %dma_wait3A_336] : memref<2x800x64xf32, #tpu.memory_space<vmem>> -> memref<1x80x64xf32, #tpu.memory_space<vmem>>
      %dma_wait3A_338 = tpu.memref_squeeze %dma_wait3A_337 : memref<1x80x64xf32, #tpu.memory_space<vmem>> -> memref<80x64xf32, #tpu.memory_space<vmem>>
      %dma_wait3A_339 = tpu.memref_slice %arg5[%add3A_332] : memref<25600xi32, #tpu.memory_space<vmem>> -> memref<80xi32, #tpu.memory_space<vmem>>
      %dma_wait3A_340 = arith.constant 0 : i32
      %dma_wait3A_341 = arith.constant 0 : i32
      %dma_wait3A_342 = tpu.memref_slice %arg3[%dma_wait3A_340, %dma_wait3A_341] : memref<2000000x64xf32, #tpu.memory_space<hbm>> -> memref<2000000x64xf32, #tpu.memory_space<hbm>>
      %dma_wait3A_343 = tpu.memref_slice %arg7[%dma_wait3A_334] : memref<2x!tpu.dma_semaphore, #tpu.memory_space<semaphore_mem>> -> memref<1x!tpu.dma_semaphore, #tpu.memory_space<semaphore_mem>>
      %dma_wait3A_344 = tpu.memref_squeeze %dma_wait3A_343 : memref<1x!tpu.dma_semaphore, #tpu.memory_space<semaphore_mem>> -> memref<!tpu.dma_semaphore, #tpu.memory_space<semaphore_mem>>
      tpu.wait_indirect_dma semaphore(%dma_wait3A_344 : memref<!tpu.dma_semaphore, #tpu.memory_space<semaphore_mem>>) src(%dma_wait3A_342 : memref<2000000x64xf32, #tpu.memory_space<hbm>>) dst(%dma_wait3A_338 : memref<80x64xf32, #tpu.memory_space<vmem>>)
      %mul3A_345 = arith.constant 800 : i32
      %mul3A_346 = arith.muli %add3A_312, %mul3A_345 : i32
      %add3A_347 = arith.constant 160 : i32
      %add3A_348 = arith.addi %mul3A_346, %add3A_347 : i32
      %dma_wait3A_349 = arith.constant 0 : i32
      %dma_wait3A_350 = arith.constant 0 : i32
      %dma_wait3A_351 = arith.constant 160 : i32
      %dma_wait3A_352 = arith.constant 0 : i32
      %dma_wait3A_353 = tpu.memref_slice %arg6[%dma_wait3A_349, %dma_wait3A_351, %dma_wait3A_352] : memref<2x800x64xf32, #tpu.memory_space<vmem>> -> memref<1x80x64xf32, #tpu.memory_space<vmem>>
      %dma_wait3A_354 = tpu.memref_squeeze %dma_wait3A_353 : memref<1x80x64xf32, #tpu.memory_space<vmem>> -> memref<80x64xf32, #tpu.memory_space<vmem>>
      %dma_wait3A_355 = tpu.memref_slice %arg5[%add3A_348] : memref<25600xi32, #tpu.memory_space<vmem>> -> memref<80xi32, #tpu.memory_space<vmem>>
      %dma_wait3A_356 = arith.constant 0 : i32
      %dma_wait3A_357 = arith.constant 0 : i32
      %dma_wait3A_358 = tpu.memref_slice %arg3[%dma_wait3A_356, %dma_wait3A_357] : memref<2000000x64xf32, #tpu.memory_space<hbm>> -> memref<2000000x64xf32, #tpu.memory_space<hbm>>
      %dma_wait3A_359 = tpu.memref_slice %arg7[%dma_wait3A_350] : memref<2x!tpu.dma_semaphore, #tpu.memory_space<semaphore_mem>> -> memref<1x!tpu.dma_semaphore, #tpu.memory_space<semaphore_mem>>
      %dma_wait3A_360 = tpu.memref_squeeze %dma_wait3A_359 : memref<1x!tpu.dma_semaphore, #tpu.memory_space<semaphore_mem>> -> memref<!tpu.dma_semaphore, #tpu.memory_space<semaphore_mem>>
      tpu.wait_indirect_dma semaphore(%dma_wait3A_360 : memref<!tpu.dma_semaphore, #tpu.memory_space<semaphore_mem>>) src(%dma_wait3A_358 : memref<2000000x64xf32, #tpu.memory_space<hbm>>) dst(%dma_wait3A_354 : memref<80x64xf32, #tpu.memory_space<vmem>>)
      %mul3A_361 = arith.constant 800 : i32
      %mul3A_362 = arith.muli %add3A_312, %mul3A_361 : i32
      %add3A_363 = arith.constant 240 : i32
      %add3A_364 = arith.addi %mul3A_362, %add3A_363 : i32
      %dma_wait3A_365 = arith.constant 0 : i32
      %dma_wait3A_366 = arith.constant 0 : i32
      %dma_wait3A_367 = arith.constant 240 : i32
      %dma_wait3A_368 = arith.constant 0 : i32
      %dma_wait3A_369 = tpu.memref_slice %arg6[%dma_wait3A_365, %dma_wait3A_367, %dma_wait3A_368] : memref<2x800x64xf32, #tpu.memory_space<vmem>> -> memref<1x80x64xf32, #tpu.memory_space<vmem>>
      %dma_wait3A_370 = tpu.memref_squeeze %dma_wait3A_369 : memref<1x80x64xf32, #tpu.memory_space<vmem>> -> memref<80x64xf32, #tpu.memory_space<vmem>>
      %dma_wait3A_371 = tpu.memref_slice %arg5[%add3A_364] : memref<25600xi32, #tpu.memory_space<vmem>> -> memref<80xi32, #tpu.memory_space<vmem>>
      %dma_wait3A_372 = arith.constant 0 : i32
      %dma_wait3A_373 = arith.constant 0 : i32
      %dma_wait3A_374 = tpu.memref_slice %arg3[%dma_wait3A_372, %dma_wait3A_373] : memref<2000000x64xf32, #tpu.memory_space<hbm>> -> memref<2000000x64xf32, #tpu.memory_space<hbm>>
      %dma_wait3A_375 = tpu.memref_slice %arg7[%dma_wait3A_366] : memref<2x!tpu.dma_semaphore, #tpu.memory_space<semaphore_mem>> -> memref<1x!tpu.dma_semaphore, #tpu.memory_space<semaphore_mem>>
      %dma_wait3A_376 = tpu.memref_squeeze %dma_wait3A_375 : memref<1x!tpu.dma_semaphore, #tpu.memory_space<semaphore_mem>> -> memref<!tpu.dma_semaphore, #tpu.memory_space<semaphore_mem>>
      tpu.wait_indirect_dma semaphore(%dma_wait3A_376 : memref<!tpu.dma_semaphore, #tpu.memory_space<semaphore_mem>>) src(%dma_wait3A_374 : memref<2000000x64xf32, #tpu.memory_space<hbm>>) dst(%dma_wait3A_370 : memref<80x64xf32, #tpu.memory_space<vmem>>)
      %mul3A_377 = arith.constant 800 : i32
      %mul3A_378 = arith.muli %add3A_312, %mul3A_377 : i32
      %add3A_379 = arith.constant 320 : i32
      %add3A_380 = arith.addi %mul3A_378, %add3A_379 : i32
      %dma_wait3A_381 = arith.constant 0 : i32
      %dma_wait3A_382 = arith.constant 0 : i32
      %dma_wait3A_383 = arith.constant 320 : i32
      %dma_wait3A_384 = arith.constant 0 : i32
      %dma_wait3A_385 = tpu.memref_slice %arg6[%dma_wait3A_381, %dma_wait3A_383, %dma_wait3A_384] : memref<2x800x64xf32, #tpu.memory_space<vmem>> -> memref<1x80x64xf32, #tpu.memory_space<vmem>>
      %dma_wait3A_386 = tpu.memref_squeeze %dma_wait3A_385 : memref<1x80x64xf32, #tpu.memory_space<vmem>> -> memref<80x64xf32, #tpu.memory_space<vmem>>
      %dma_wait3A_387 = tpu.memref_slice %arg5[%add3A_380] : memref<25600xi32, #tpu.memory_space<vmem>> -> memref<80xi32, #tpu.memory_space<vmem>>
      %dma_wait3A_388 = arith.constant 0 : i32
      %dma_wait3A_389 = arith.constant 0 : i32
      %dma_wait3A_390 = tpu.memref_slice %arg3[%dma_wait3A_388, %dma_wait3A_389] : memref<2000000x64xf32, #tpu.memory_space<hbm>> -> memref<2000000x64xf32, #tpu.memory_space<hbm>>
      %dma_wait3A_391 = tpu.memref_slice %arg7[%dma_wait3A_382] : memref<2x!tpu.dma_semaphore, #tpu.memory_space<semaphore_mem>> -> memref<1x!tpu.dma_semaphore, #tpu.memory_space<semaphore_mem>>
      %dma_wait3A_392 = tpu.memref_squeeze %dma_wait3A_391 : memref<1x!tpu.dma_semaphore, #tpu.memory_space<semaphore_mem>> -> memref<!tpu.dma_semaphore, #tpu.memory_space<semaphore_mem>>
      tpu.wait_indirect_dma semaphore(%dma_wait3A_392 : memref<!tpu.dma_semaphore, #tpu.memory_space<semaphore_mem>>) src(%dma_wait3A_390 : memref<2000000x64xf32, #tpu.memory_space<hbm>>) dst(%dma_wait3A_386 : memref<80x64xf32, #tpu.memory_space<vmem>>)
      %mul3A_393 = arith.constant 800 : i32
      %mul3A_394 = arith.muli %add3A_312, %mul3A_393 : i32
      %add3A_395 = arith.constant 400 : i32
      %add3A_396 = arith.addi %mul3A_394, %add3A_395 : i32
      %dma_wait3A_397 = arith.constant 0 : i32
      %dma_wait3A_398 = arith.constant 0 : i32
      %dma_wait3A_399 = arith.constant 400 : i32
      %dma_wait3A_400 = arith.constant 0 : i32
      %dma_wait3A_401 = tpu.memref_slice %arg6[%dma_wait3A_397, %dma_wait3A_399, %dma_wait3A_400] : memref<2x800x64xf32, #tpu.memory_space<vmem>> -> memref<1x80x64xf32, #tpu.memory_space<vmem>>
      %dma_wait3A_402 = tpu.memref_squeeze %dma_wait3A_401 : memref<1x80x64xf32, #tpu.memory_space<vmem>> -> memref<80x64xf32, #tpu.memory_space<vmem>>
      %dma_wait3A_403 = tpu.memref_slice %arg5[%add3A_396] : memref<25600xi32, #tpu.memory_space<vmem>> -> memref<80xi32, #tpu.memory_space<vmem>>
      %dma_wait3A_404 = arith.constant 0 : i32
      %dma_wait3A_405 = arith.constant 0 : i32
      %dma_wait3A_406 = tpu.memref_slice %arg3[%dma_wait3A_404, %dma_wait3A_405] : memref<2000000x64xf32, #tpu.memory_space<hbm>> -> memref<2000000x64xf32, #tpu.memory_space<hbm>>
      %dma_wait3A_407 = tpu.memref_slice %arg7[%dma_wait3A_398] : memref<2x!tpu.dma_semaphore, #tpu.memory_space<semaphore_mem>> -> memref<1x!tpu.dma_semaphore, #tpu.memory_space<semaphore_mem>>
      %dma_wait3A_408 = tpu.memref_squeeze %dma_wait3A_407 : memref<1x!tpu.dma_semaphore, #tpu.memory_space<semaphore_mem>> -> memref<!tpu.dma_semaphore, #tpu.memory_space<semaphore_mem>>
      tpu.wait_indirect_dma semaphore(%dma_wait3A_408 : memref<!tpu.dma_semaphore, #tpu.memory_space<semaphore_mem>>) src(%dma_wait3A_406 : memref<2000000x64xf32, #tpu.memory_space<hbm>>) dst(%dma_wait3A_402 : memref<80x64xf32, #tpu.memory_space<vmem>>)
      %mul3A_409 = arith.constant 800 : i32
      %mul3A_410 = arith.muli %add3A_312, %mul3A_409 : i32
      %add3A_411 = arith.constant 480 : i32
      %add3A_412 = arith.addi %mul3A_410, %add3A_411 : i32
      %dma_wait3A_413 = arith.constant 0 : i32
      %dma_wait3A_414 = arith.constant 0 : i32
      %dma_wait3A_415 = arith.constant 480 : i32
      %dma_wait3A_416 = arith.constant 0 : i32
      %dma_wait3A_417 = tpu.memref_slice %arg6[%dma_wait3A_413, %dma_wait3A_415, %dma_wait3A_416] : memref<2x800x64xf32, #tpu.memory_space<vmem>> -> memref<1x80x64xf32, #tpu.memory_space<vmem>>
      %dma_wait3A_418 = tpu.memref_squeeze %dma_wait3A_417 : memref<1x80x64xf32, #tpu.memory_space<vmem>> -> memref<80x64xf32, #tpu.memory_space<vmem>>
      %dma_wait3A_419 = tpu.memref_slice %arg5[%add3A_412] : memref<25600xi32, #tpu.memory_space<vmem>> -> memref<80xi32, #tpu.memory_space<vmem>>
      %dma_wait3A_420 = arith.constant 0 : i32
      %dma_wait3A_421 = arith.constant 0 : i32
      %dma_wait3A_422 = tpu.memref_slice %arg3[%dma_wait3A_420, %dma_wait3A_421] : memref<2000000x64xf32, #tpu.memory_space<hbm>> -> memref<2000000x64xf32, #tpu.memory_space<hbm>>
      %dma_wait3A_423 = tpu.memref_slice %arg7[%dma_wait3A_414] : memref<2x!tpu.dma_semaphore, #tpu.memory_space<semaphore_mem>> -> memref<1x!tpu.dma_semaphore, #tpu.memory_space<semaphore_mem>>
      %dma_wait3A_424 = tpu.memref_squeeze %dma_wait3A_423 : memref<1x!tpu.dma_semaphore, #tpu.memory_space<semaphore_mem>> -> memref<!tpu.dma_semaphore, #tpu.memory_space<semaphore_mem>>
      tpu.wait_indirect_dma semaphore(%dma_wait3A_424 : memref<!tpu.dma_semaphore, #tpu.memory_space<semaphore_mem>>) src(%dma_wait3A_422 : memref<2000000x64xf32, #tpu.memory_space<hbm>>) dst(%dma_wait3A_418 : memref<80x64xf32, #tpu.memory_space<vmem>>)
      %mul3A_425 = arith.constant 800 : i32
      %mul3A_426 = arith.muli %add3A_312, %mul3A_425 : i32
      %add3A_427 = arith.constant 560 : i32
      %add3A_428 = arith.addi %mul3A_426, %add3A_427 : i32
      %dma_wait3A_429 = arith.constant 0 : i32
      %dma_wait3A_430 = arith.constant 0 : i32
      %dma_wait3A_431 = arith.constant 560 : i32
      %dma_wait3A_432 = arith.constant 0 : i32
      %dma_wait3A_433 = tpu.memref_slice %arg6[%dma_wait3A_429, %dma_wait3A_431, %dma_wait3A_432] : memref<2x800x64xf32, #tpu.memory_space<vmem>> -> memref<1x80x64xf32, #tpu.memory_space<vmem>>
      %dma_wait3A_434 = tpu.memref_squeeze %dma_wait3A_433 : memref<1x80x64xf32, #tpu.memory_space<vmem>> -> memref<80x64xf32, #tpu.memory_space<vmem>>
      %dma_wait3A_435 = tpu.memref_slice %arg5[%add3A_428] : memref<25600xi32, #tpu.memory_space<vmem>> -> memref<80xi32, #tpu.memory_space<vmem>>
      %dma_wait3A_436 = arith.constant 0 : i32
      %dma_wait3A_437 = arith.constant 0 : i32
      %dma_wait3A_438 = tpu.memref_slice %arg3[%dma_wait3A_436, %dma_wait3A_437] : memref<2000000x64xf32, #tpu.memory_space<hbm>> -> memref<2000000x64xf32, #tpu.memory_space<hbm>>
      %dma_wait3A_439 = tpu.memref_slice %arg7[%dma_wait3A_430] : memref<2x!tpu.dma_semaphore, #tpu.memory_space<semaphore_mem>> -> memref<1x!tpu.dma_semaphore, #tpu.memory_space<semaphore_mem>>
      %dma_wait3A_440 = tpu.memref_squeeze %dma_wait3A_439 : memref<1x!tpu.dma_semaphore, #tpu.memory_space<semaphore_mem>> -> memref<!tpu.dma_semaphore, #tpu.memory_space<semaphore_mem>>
      tpu.wait_indirect_dma semaphore(%dma_wait3A_440 : memref<!tpu.dma_semaphore, #tpu.memory_space<semaphore_mem>>) src(%dma_wait3A_438 : memref<2000000x64xf32, #tpu.memory_space<hbm>>) dst(%dma_wait3A_434 : memref<80x64xf32, #tpu.memory_space<vmem>>)
      %mul3A_441 = arith.constant 800 : i32
      %mul3A_442 = arith.muli %add3A_312, %mul3A_441 : i32
      %add3A_443 = arith.constant 640 : i32
      %add3A_444 = arith.addi %mul3A_442, %add3A_443 : i32
      %dma_wait3A_445 = arith.constant 0 : i32
      %dma_wait3A_446 = arith.constant 0 : i32
      %dma_wait3A_447 = arith.constant 640 : i32
      %dma_wait3A_448 = arith.constant 0 : i32
      %dma_wait3A_449 = tpu.memref_slice %arg6[%dma_wait3A_445, %dma_wait3A_447, %dma_wait3A_448] : memref<2x800x64xf32, #tpu.memory_space<vmem>> -> memref<1x80x64xf32, #tpu.memory_space<vmem>>
      %dma_wait3A_450 = tpu.memref_squeeze %dma_wait3A_449 : memref<1x80x64xf32, #tpu.memory_space<vmem>> -> memref<80x64xf32, #tpu.memory_space<vmem>>
      %dma_wait3A_451 = tpu.memref_slice %arg5[%add3A_444] : memref<25600xi32, #tpu.memory_space<vmem>> -> memref<80xi32, #tpu.memory_space<vmem>>
      %dma_wait3A_452 = arith.constant 0 : i32
      %dma_wait3A_453 = arith.constant 0 : i32
      %dma_wait3A_454 = tpu.memref_slice %arg3[%dma_wait3A_452, %dma_wait3A_453] : memref<2000000x64xf32, #tpu.memory_space<hbm>> -> memref<2000000x64xf32, #tpu.memory_space<hbm>>
      %dma_wait3A_455 = tpu.memref_slice %arg7[%dma_wait3A_446] : memref<2x!tpu.dma_semaphore, #tpu.memory_space<semaphore_mem>> -> memref<1x!tpu.dma_semaphore, #tpu.memory_space<semaphore_mem>>
      %dma_wait3A_456 = tpu.memref_squeeze %dma_wait3A_455 : memref<1x!tpu.dma_semaphore, #tpu.memory_space<semaphore_mem>> -> memref<!tpu.dma_semaphore, #tpu.memory_space<semaphore_mem>>
      tpu.wait_indirect_dma semaphore(%dma_wait3A_456 : memref<!tpu.dma_semaphore, #tpu.memory_space<semaphore_mem>>) src(%dma_wait3A_454 : memref<2000000x64xf32, #tpu.memory_space<hbm>>) dst(%dma_wait3A_450 : memref<80x64xf32, #tpu.memory_space<vmem>>)
      %mul3A_457 = arith.constant 800 : i32
      %mul3A_458 = arith.muli %add3A_312, %mul3A_457 : i32
      %add3A_459 = arith.constant 720 : i32
      %add3A_460 = arith.addi %mul3A_458, %add3A_459 : i32
      %dma_wait3A_461 = arith.constant 0 : i32
      %dma_wait3A_462 = arith.constant 0 : i32
      %dma_wait3A_463 = arith.constant 720 : i32
      %dma_wait3A_464 = arith.constant 0 : i32
      %dma_wait3A_465 = tpu.memref_slice %arg6[%dma_wait3A_461, %dma_wait3A_463, %dma_wait3A_464] : memref<2x800x64xf32, #tpu.memory_space<vmem>> -> memref<1x80x64xf32, #tpu.memory_space<vmem>>
      %dma_wait3A_466 = tpu.memref_squeeze %dma_wait3A_465 : memref<1x80x64xf32, #tpu.memory_space<vmem>> -> memref<80x64xf32, #tpu.memory_space<vmem>>
      %dma_wait3A_467 = tpu.memref_slice %arg5[%add3A_460] : memref<25600xi32, #tpu.memory_space<vmem>> -> memref<80xi32, #tpu.memory_space<vmem>>
      %dma_wait3A_468 = arith.constant 0 : i32
      %dma_wait3A_469 = arith.constant 0 : i32
      %dma_wait3A_470 = tpu.memref_slice %arg3[%dma_wait3A_468, %dma_wait3A_469] : memref<2000000x64xf32, #tpu.memory_space<hbm>> -> memref<2000000x64xf32, #tpu.memory_space<hbm>>
      %dma_wait3A_471 = tpu.memref_slice %arg7[%dma_wait3A_462] : memref<2x!tpu.dma_semaphore, #tpu.memory_space<semaphore_mem>> -> memref<1x!tpu.dma_semaphore, #tpu.memory_space<semaphore_mem>>
      %dma_wait3A_472 = tpu.memref_squeeze %dma_wait3A_471 : memref<1x!tpu.dma_semaphore, #tpu.memory_space<semaphore_mem>> -> memref<!tpu.dma_semaphore, #tpu.memory_space<semaphore_mem>>
      tpu.wait_indirect_dma semaphore(%dma_wait3A_472 : memref<!tpu.dma_semaphore, #tpu.memory_space<semaphore_mem>>) src(%dma_wait3A_470 : memref<2000000x64xf32, #tpu.memory_space<hbm>>) dst(%dma_wait3A_466 : memref<80x64xf32, #tpu.memory_space<vmem>>)
      %mul3A_473 = arith.constant 800 : i32
      %mul3A_474 = arith.muli %add3A_312, %mul3A_473 : i32
      %add3A_475 = arith.addi %mul3A_2, %mul3A_474 : i32
      %dma_start3A_476 = arith.constant 0 : i32
      %dma_start3A_477 = arith.constant 0 : i32
      %dma_start3A_478 = arith.constant 0 : i32
      %dma_start3A_479 = arith.constant 0 : i32
      %dma_start3A_480 = tpu.memref_slice %arg6[%dma_start3A_476, %dma_start3A_478, %dma_start3A_479] : memref<2x800x64xf32, #tpu.memory_space<vmem>> -> memref<1x800x64xf32, #tpu.memory_space<vmem>>
      %dma_start3A_481 = tpu.memref_squeeze %dma_start3A_480 : memref<1x800x64xf32, #tpu.memory_space<vmem>> -> memref<800x64xf32, #tpu.memory_space<vmem>>
      %dma_start3A_482 = arith.constant 0 : i32
      %dma_start3A_483 = tpu.memref_slice %arg4[%add3A_475, %dma_start3A_482] : memref<819200x128xf32, #tpu.memory_space<hbm>> -> memref<800x64xf32, #tpu.memory_space<hbm>>
      %dma_start3A_484 = tpu.memref_slice %arg8[%dma_start3A_477] : memref<2x!tpu.dma_semaphore, #tpu.memory_space<semaphore_mem>> -> memref<1x!tpu.dma_semaphore, #tpu.memory_space<semaphore_mem>>
      %dma_start3A_485 = tpu.memref_squeeze %dma_start3A_484 : memref<1x!tpu.dma_semaphore, #tpu.memory_space<semaphore_mem>> -> memref<!tpu.dma_semaphore, #tpu.memory_space<semaphore_mem>>
      %dma_start3A_486 = arith.constant 0 : i32
      %dma_start3A_487 = tpu.memref_slice %arg4[%add3A_475, %dma_start3A_486] : memref<819200x128xf32, #tpu.memory_space<hbm>> -> memref<800x64xf32, #tpu.memory_space<hbm>>
      %dma_start3A_488 = arith.constant 0 : i32
      %dma_start3A_489 = arith.constant 0 : i32
      %dma_start3A_490 = tpu.memref_slice %arg6[%dma_start3A_476, %dma_start3A_488, %dma_start3A_489] : memref<2x800x64xf32, #tpu.memory_space<vmem>> -> memref<1x800x64xf32, #tpu.memory_space<vmem>>
      %dma_start3A_491 = tpu.memref_squeeze %dma_start3A_490 : memref<1x800x64xf32, #tpu.memory_space<vmem>> -> memref<800x64xf32, #tpu.memory_space<vmem>>
      tpu.enqueue_dma source(%dma_start3A_491 : memref<800x64xf32, #tpu.memory_space<vmem>>) target(%dma_start3A_487 : memref<800x64xf32, #tpu.memory_space<hbm>>) target_semaphore(%dma_start3A_485 : memref<!tpu.dma_semaphore, #tpu.memory_space<semaphore_mem>>)
      %lt3A = arith.constant 30 : i32
      %lt3A_492 = arith.cmpi slt, %add3A_312, %lt3A : i32
      %convert_element_type3A = arith.extui %lt3A_492 : i1 to i32
      %cond3A = arith.constant 0 : i32
      %cond3A_493 = arith.cmpi ne, %convert_element_type3A, %cond3A : i32
      scf.if %cond3A_493 {
        %mul3A_682 = arith.constant 800 : i32
        %mul3A_683 = arith.muli %add3A_312, %mul3A_682 : i32
        %add3A_684 = arith.addi %mul3A_2, %mul3A_683 : i32
        %dma_wait3A_685 = arith.constant 0 : i32
        %dma_wait3A_686 = arith.constant 0 : i32
        %dma_wait3A_687 = arith.constant 0 : i32
        %dma_wait3A_688 = arith.constant 0 : i32
        %dma_wait3A_689 = tpu.memref_slice %arg6[%dma_wait3A_685, %dma_wait3A_687, %dma_wait3A_688] : memref<2x800x64xf32, #tpu.memory_space<vmem>> -> memref<1x800x64xf32, #tpu.memory_space<vmem>>
        %dma_wait3A_690 = tpu.memref_squeeze %dma_wait3A_689 : memref<1x800x64xf32, #tpu.memory_space<vmem>> -> memref<800x64xf32, #tpu.memory_space<vmem>>
        %dma_wait3A_691 = arith.constant 0 : i32
        %dma_wait3A_692 = tpu.memref_slice %arg4[%add3A_684, %dma_wait3A_691] : memref<819200x128xf32, #tpu.memory_space<hbm>> -> memref<800x64xf32, #tpu.memory_space<hbm>>
        %dma_wait3A_693 = tpu.memref_slice %arg8[%dma_wait3A_686] : memref<2x!tpu.dma_semaphore, #tpu.memory_space<semaphore_mem>> -> memref<1x!tpu.dma_semaphore, #tpu.memory_space<semaphore_mem>>
        %dma_wait3A_694 = tpu.memref_squeeze %dma_wait3A_693 : memref<1x!tpu.dma_semaphore, #tpu.memory_space<semaphore_mem>> -> memref<!tpu.dma_semaphore, #tpu.memory_space<semaphore_mem>>
        %dma_wait3A_695 = arith.constant 0 : i32
        %dma_wait3A_696 = tpu.memref_slice %arg4[%add3A_684, %dma_wait3A_695] : memref<819200x128xf32, #tpu.memory_space<hbm>> -> memref<800x64xf32, #tpu.memory_space<hbm>>
        %dma_wait3A_697 = arith.constant 0 : i32
        %dma_wait3A_698 = arith.constant 0 : i32
        %dma_wait3A_699 = tpu.memref_slice %arg6[%dma_wait3A_685, %dma_wait3A_697, %dma_wait3A_698] : memref<2x800x64xf32, #tpu.memory_space<vmem>> -> memref<1x800x64xf32, #tpu.memory_space<vmem>>
        %dma_wait3A_700 = tpu.memref_squeeze %dma_wait3A_699 : memref<1x800x64xf32, #tpu.memory_space<vmem>> -> memref<800x64xf32, #tpu.memory_space<vmem>>
        tpu.wait_dma2 semaphore(%dma_wait3A_694 : memref<!tpu.dma_semaphore, #tpu.memory_space<semaphore_mem>>) src(%dma_wait3A_700 : memref<800x64xf32, #tpu.memory_space<vmem>>) dst(%dma_wait3A_696 : memref<800x64xf32, #tpu.memory_space<hbm>>)
        %add3A_701 = arith.constant 2 : i32
        %add3A_702 = arith.addi %add3A_312, %add3A_701 : i32
        %mul3A_703 = arith.constant 800 : i32
        %mul3A_704 = arith.muli %add3A_702, %mul3A_703 : i32
        %add3A_705 = arith.constant 0 : i32
        %add3A_706 = arith.addi %mul3A_704, %add3A_705 : i32
        %dma_start3A_707 = arith.constant 0 : i32
        %dma_start3A_708 = arith.constant 0 : i32
        %dma_start3A_709 = arith.constant 0 : i32
        %dma_start3A_710 = arith.constant 0 : i32
        %dma_start3A_711 = tpu.memref_slice %arg6[%dma_start3A_707, %dma_start3A_709, %dma_start3A_710] : memref<2x800x64xf32, #tpu.memory_space<vmem>> -> memref<1x80x64xf32, #tpu.memory_space<vmem>>
        %dma_start3A_712 = tpu.memref_squeeze %dma_start3A_711 : memref<1x80x64xf32, #tpu.memory_space<vmem>> -> memref<80x64xf32, #tpu.memory_space<vmem>>
        %dma_start3A_713 = tpu.memref_slice %arg5[%add3A_706] : memref<25600xi32, #tpu.memory_space<vmem>> -> memref<80xi32, #tpu.memory_space<vmem>>
        %dma_start3A_714 = arith.constant 0 : i32
        %dma_start3A_715 = arith.constant 0 : i32
        %dma_start3A_716 = tpu.memref_slice %arg3[%dma_start3A_714, %dma_start3A_715] : memref<2000000x64xf32, #tpu.memory_space<hbm>> -> memref<2000000x64xf32, #tpu.memory_space<hbm>>
        %dma_start3A_717 = tpu.memref_slice %arg7[%dma_start3A_708] : memref<2x!tpu.dma_semaphore, #tpu.memory_space<semaphore_mem>> -> memref<1x!tpu.dma_semaphore, #tpu.memory_space<semaphore_mem>>
        %dma_start3A_718 = tpu.memref_squeeze %dma_start3A_717 : memref<1x!tpu.dma_semaphore, #tpu.memory_space<semaphore_mem>> -> memref<!tpu.dma_semaphore, #tpu.memory_space<semaphore_mem>>
        tpu.enqueue_indirect_dma source(%dma_start3A_716 : memref<2000000x64xf32, #tpu.memory_space<hbm>>) target(%dma_start3A_712 : memref<80x64xf32, #tpu.memory_space<vmem>>) offsets(%dma_start3A_713 : memref<80xi32, #tpu.memory_space<vmem>>) semaphore(%dma_start3A_718 : memref<!tpu.dma_semaphore, #tpu.memory_space<semaphore_mem>>)
        %mul3A_719 = arith.constant 800 : i32
        %mul3A_720 = arith.muli %add3A_702, %mul3A_719 : i32
        %add3A_721 = arith.constant 80 : i32
        %add3A_722 = arith.addi %mul3A_720, %add3A_721 : i32
        %dma_start3A_723 = arith.constant 0 : i32
        %dma_start3A_724 = arith.constant 0 : i32
        %dma_start3A_725 = arith.constant 80 : i32
        %dma_start3A_726 = arith.constant 0 : i32
        %dma_start3A_727 = tpu.memref_slice %arg6[%dma_start3A_723, %dma_start3A_725, %dma_start3A_726] : memref<2x800x64xf32, #tpu.memory_space<vmem>> -> memref<1x80x64xf32, #tpu.memory_space<vmem>>
        %dma_start3A_728 = tpu.memref_squeeze %dma_start3A_727 : memref<1x80x64xf32, #tpu.memory_space<vmem>> -> memref<80x64xf32, #tpu.memory_space<vmem>>
        %dma_start3A_729 = tpu.memref_slice %arg5[%add3A_722] : memref<25600xi32, #tpu.memory_space<vmem>> -> memref<80xi32, #tpu.memory_space<vmem>>
        %dma_start3A_730 = arith.constant 0 : i32
        %dma_start3A_731 = arith.constant 0 : i32
        %dma_start3A_732 = tpu.memref_slice %arg3[%dma_start3A_730, %dma_start3A_731] : memref<2000000x64xf32, #tpu.memory_space<hbm>> -> memref<2000000x64xf32, #tpu.memory_space<hbm>>
        %dma_start3A_733 = tpu.memref_slice %arg7[%dma_start3A_724] : memref<2x!tpu.dma_semaphore, #tpu.memory_space<semaphore_mem>> -> memref<1x!tpu.dma_semaphore, #tpu.memory_space<semaphore_mem>>
        %dma_start3A_734 = tpu.memref_squeeze %dma_start3A_733 : memref<1x!tpu.dma_semaphore, #tpu.memory_space<semaphore_mem>> -> memref<!tpu.dma_semaphore, #tpu.memory_space<semaphore_mem>>
        tpu.enqueue_indirect_dma source(%dma_start3A_732 : memref<2000000x64xf32, #tpu.memory_space<hbm>>) target(%dma_start3A_728 : memref<80x64xf32, #tpu.memory_space<vmem>>) offsets(%dma_start3A_729 : memref<80xi32, #tpu.memory_space<vmem>>) semaphore(%dma_start3A_734 : memref<!tpu.dma_semaphore, #tpu.memory_space<semaphore_mem>>)
        %mul3A_735 = arith.constant 800 : i32
        %mul3A_736 = arith.muli %add3A_702, %mul3A_735 : i32
        %add3A_737 = arith.constant 160 : i32
        %add3A_738 = arith.addi %mul3A_736, %add3A_737 : i32
        %dma_start3A_739 = arith.constant 0 : i32
        %dma_start3A_740 = arith.constant 0 : i32
        %dma_start3A_741 = arith.constant 160 : i32
        %dma_start3A_742 = arith.constant 0 : i32
        %dma_start3A_743 = tpu.memref_slice %arg6[%dma_start3A_739, %dma_start3A_741, %dma_start3A_742] : memref<2x800x64xf32, #tpu.memory_space<vmem>> -> memref<1x80x64xf32, #tpu.memory_space<vmem>>
        %dma_start3A_744 = tpu.memref_squeeze %dma_start3A_743 : memref<1x80x64xf32, #tpu.memory_space<vmem>> -> memref<80x64xf32, #tpu.memory_space<vmem>>
        %dma_start3A_745 = tpu.memref_slice %arg5[%add3A_738] : memref<25600xi32, #tpu.memory_space<vmem>> -> memref<80xi32, #tpu.memory_space<vmem>>
        %dma_start3A_746 = arith.constant 0 : i32
        %dma_start3A_747 = arith.constant 0 : i32
        %dma_start3A_748 = tpu.memref_slice %arg3[%dma_start3A_746, %dma_start3A_747] : memref<2000000x64xf32, #tpu.memory_space<hbm>> -> memref<2000000x64xf32, #tpu.memory_space<hbm>>
        %dma_start3A_749 = tpu.memref_slice %arg7[%dma_start3A_740] : memref<2x!tpu.dma_semaphore, #tpu.memory_space<semaphore_mem>> -> memref<1x!tpu.dma_semaphore, #tpu.memory_space<semaphore_mem>>
        %dma_start3A_750 = tpu.memref_squeeze %dma_start3A_749 : memref<1x!tpu.dma_semaphore, #tpu.memory_space<semaphore_mem>> -> memref<!tpu.dma_semaphore, #tpu.memory_space<semaphore_mem>>
        tpu.enqueue_indirect_dma source(%dma_start3A_748 : memref<2000000x64xf32, #tpu.memory_space<hbm>>) target(%dma_start3A_744 : memref<80x64xf32, #tpu.memory_space<vmem>>) offsets(%dma_start3A_745 : memref<80xi32, #tpu.memory_space<vmem>>) semaphore(%dma_start3A_750 : memref<!tpu.dma_semaphore, #tpu.memory_space<semaphore_mem>>)
        %mul3A_751 = arith.constant 800 : i32
        %mul3A_752 = arith.muli %add3A_702, %mul3A_751 : i32
        %add3A_753 = arith.constant 240 : i32
        %add3A_754 = arith.addi %mul3A_752, %add3A_753 : i32
        %dma_start3A_755 = arith.constant 0 : i32
        %dma_start3A_756 = arith.constant 0 : i32
        %dma_start3A_757 = arith.constant 240 : i32
        %dma_start3A_758 = arith.constant 0 : i32
        %dma_start3A_759 = tpu.memref_slice %arg6[%dma_start3A_755, %dma_start3A_757, %dma_start3A_758] : memref<2x800x64xf32, #tpu.memory_space<vmem>> -> memref<1x80x64xf32, #tpu.memory_space<vmem>>
        %dma_start3A_760 = tpu.memref_squeeze %dma_start3A_759 : memref<1x80x64xf32, #tpu.memory_space<vmem>> -> memref<80x64xf32, #tpu.memory_space<vmem>>
        %dma_start3A_761 = tpu.memref_slice %arg5[%add3A_754] : memref<25600xi32, #tpu.memory_space<vmem>> -> memref<80xi32, #tpu.memory_space<vmem>>
        %dma_start3A_762 = arith.constant 0 : i32
        %dma_start3A_763 = arith.constant 0 : i32
        %dma_start3A_764 = tpu.memref_slice %arg3[%dma_start3A_762, %dma_start3A_763] : memref<2000000x64xf32, #tpu.memory_space<hbm>> -> memref<2000000x64xf32, #tpu.memory_space<hbm>>
        %dma_start3A_765 = tpu.memref_slice %arg7[%dma_start3A_756] : memref<2x!tpu.dma_semaphore, #tpu.memory_space<semaphore_mem>> -> memref<1x!tpu.dma_semaphore, #tpu.memory_space<semaphore_mem>>
        %dma_start3A_766 = tpu.memref_squeeze %dma_start3A_765 : memref<1x!tpu.dma_semaphore, #tpu.memory_space<semaphore_mem>> -> memref<!tpu.dma_semaphore, #tpu.memory_space<semaphore_mem>>
        tpu.enqueue_indirect_dma source(%dma_start3A_764 : memref<2000000x64xf32, #tpu.memory_space<hbm>>) target(%dma_start3A_760 : memref<80x64xf32, #tpu.memory_space<vmem>>) offsets(%dma_start3A_761 : memref<80xi32, #tpu.memory_space<vmem>>) semaphore(%dma_start3A_766 : memref<!tpu.dma_semaphore, #tpu.memory_space<semaphore_mem>>)
        %mul3A_767 = arith.constant 800 : i32
        %mul3A_768 = arith.muli %add3A_702, %mul3A_767 : i32
        %add3A_769 = arith.constant 320 : i32
        %add3A_770 = arith.addi %mul3A_768, %add3A_769 : i32
        %dma_start3A_771 = arith.constant 0 : i32
        %dma_start3A_772 = arith.constant 0 : i32
        %dma_start3A_773 = arith.constant 320 : i32
        %dma_start3A_774 = arith.constant 0 : i32
        %dma_start3A_775 = tpu.memref_slice %arg6[%dma_start3A_771, %dma_start3A_773, %dma_start3A_774] : memref<2x800x64xf32, #tpu.memory_space<vmem>> -> memref<1x80x64xf32, #tpu.memory_space<vmem>>
        %dma_start3A_776 = tpu.memref_squeeze %dma_start3A_775 : memref<1x80x64xf32, #tpu.memory_space<vmem>> -> memref<80x64xf32, #tpu.memory_space<vmem>>
        %dma_start3A_777 = tpu.memref_slice %arg5[%add3A_770] : memref<25600xi32, #tpu.memory_space<vmem>> -> memref<80xi32, #tpu.memory_space<vmem>>
        %dma_start3A_778 = arith.constant 0 : i32
        %dma_start3A_779 = arith.constant 0 : i32
        %dma_start3A_780 = tpu.memref_slice %arg3[%dma_start3A_778, %dma_start3A_779] : memref<2000000x64xf32, #tpu.memory_space<hbm>> -> memref<2000000x64xf32, #tpu.memory_space<hbm>>
        %dma_start3A_781 = tpu.memref_slice %arg7[%dma_start3A_772] : memref<2x!tpu.dma_semaphore, #tpu.memory_space<semaphore_mem>> -> memref<1x!tpu.dma_semaphore, #tpu.memory_space<semaphore_mem>>
        %dma_start3A_782 = tpu.memref_squeeze %dma_start3A_781 : memref<1x!tpu.dma_semaphore, #tpu.memory_space<semaphore_mem>> -> memref<!tpu.dma_semaphore, #tpu.memory_space<semaphore_mem>>
        tpu.enqueue_indirect_dma source(%dma_start3A_780 : memref<2000000x64xf32, #tpu.memory_space<hbm>>) target(%dma_start3A_776 : memref<80x64xf32, #tpu.memory_space<vmem>>) offsets(%dma_start3A_777 : memref<80xi32, #tpu.memory_space<vmem>>) semaphore(%dma_start3A_782 : memref<!tpu.dma_semaphore, #tpu.memory_space<semaphore_mem>>)
        %mul3A_783 = arith.constant 800 : i32
        %mul3A_784 = arith.muli %add3A_702, %mul3A_783 : i32
        %add3A_785 = arith.constant 400 : i32
        %add3A_786 = arith.addi %mul3A_784, %add3A_785 : i32
        %dma_start3A_787 = arith.constant 0 : i32
        %dma_start3A_788 = arith.constant 0 : i32
        %dma_start3A_789 = arith.constant 400 : i32
        %dma_start3A_790 = arith.constant 0 : i32
        %dma_start3A_791 = tpu.memref_slice %arg6[%dma_start3A_787, %dma_start3A_789, %dma_start3A_790] : memref<2x800x64xf32, #tpu.memory_space<vmem>> -> memref<1x80x64xf32, #tpu.memory_space<vmem>>
        %dma_start3A_792 = tpu.memref_squeeze %dma_start3A_791 : memref<1x80x64xf32, #tpu.memory_space<vmem>> -> memref<80x64xf32, #tpu.memory_space<vmem>>
        %dma_start3A_793 = tpu.memref_slice %arg5[%add3A_786] : memref<25600xi32, #tpu.memory_space<vmem>> -> memref<80xi32, #tpu.memory_space<vmem>>
        %dma_start3A_794 = arith.constant 0 : i32
        %dma_start3A_795 = arith.constant 0 : i32
        %dma_start3A_796 = tpu.memref_slice %arg3[%dma_start3A_794, %dma_start3A_795] : memref<2000000x64xf32, #tpu.memory_space<hbm>> -> memref<2000000x64xf32, #tpu.memory_space<hbm>>
        %dma_start3A_797 = tpu.memref_slice %arg7[%dma_start3A_788] : memref<2x!tpu.dma_semaphore, #tpu.memory_space<semaphore_mem>> -> memref<1x!tpu.dma_semaphore, #tpu.memory_space<semaphore_mem>>
        %dma_start3A_798 = tpu.memref_squeeze %dma_start3A_797 : memref<1x!tpu.dma_semaphore, #tpu.memory_space<semaphore_mem>> -> memref<!tpu.dma_semaphore, #tpu.memory_space<semaphore_mem>>
        tpu.enqueue_indirect_dma source(%dma_start3A_796 : memref<2000000x64xf32, #tpu.memory_space<hbm>>) target(%dma_start3A_792 : memref<80x64xf32, #tpu.memory_space<vmem>>) offsets(%dma_start3A_793 : memref<80xi32, #tpu.memory_space<vmem>>) semaphore(%dma_start3A_798 : memref<!tpu.dma_semaphore, #tpu.memory_space<semaphore_mem>>)
        %mul3A_799 = arith.constant 800 : i32
        %mul3A_800 = arith.muli %add3A_702, %mul3A_799 : i32
        %add3A_801 = arith.constant 480 : i32
        %add3A_802 = arith.addi %mul3A_800, %add3A_801 : i32
        %dma_start3A_803 = arith.constant 0 : i32
        %dma_start3A_804 = arith.constant 0 : i32
        %dma_start3A_805 = arith.constant 480 : i32
        %dma_start3A_806 = arith.constant 0 : i32
        %dma_start3A_807 = tpu.memref_slice %arg6[%dma_start3A_803, %dma_start3A_805, %dma_start3A_806] : memref<2x800x64xf32, #tpu.memory_space<vmem>> -> memref<1x80x64xf32, #tpu.memory_space<vmem>>
        %dma_start3A_808 = tpu.memref_squeeze %dma_start3A_807 : memref<1x80x64xf32, #tpu.memory_space<vmem>> -> memref<80x64xf32, #tpu.memory_space<vmem>>
        %dma_start3A_809 = tpu.memref_slice %arg5[%add3A_802] : memref<25600xi32, #tpu.memory_space<vmem>> -> memref<80xi32, #tpu.memory_space<vmem>>
        %dma_start3A_810 = arith.constant 0 : i32
        %dma_start3A_811 = arith.constant 0 : i32
        %dma_start3A_812 = tpu.memref_slice %arg3[%dma_start3A_810, %dma_start3A_811] : memref<2000000x64xf32, #tpu.memory_space<hbm>> -> memref<2000000x64xf32, #tpu.memory_space<hbm>>
        %dma_start3A_813 = tpu.memref_slice %arg7[%dma_start3A_804] : memref<2x!tpu.dma_semaphore, #tpu.memory_space<semaphore_mem>> -> memref<1x!tpu.dma_semaphore, #tpu.memory_space<semaphore_mem>>
        %dma_start3A_814 = tpu.memref_squeeze %dma_start3A_813 : memref<1x!tpu.dma_semaphore, #tpu.memory_space<semaphore_mem>> -> memref<!tpu.dma_semaphore, #tpu.memory_space<semaphore_mem>>
        tpu.enqueue_indirect_dma source(%dma_start3A_812 : memref<2000000x64xf32, #tpu.memory_space<hbm>>) target(%dma_start3A_808 : memref<80x64xf32, #tpu.memory_space<vmem>>) offsets(%dma_start3A_809 : memref<80xi32, #tpu.memory_space<vmem>>) semaphore(%dma_start3A_814 : memref<!tpu.dma_semaphore, #tpu.memory_space<semaphore_mem>>)
        %mul3A_815 = arith.constant 800 : i32
        %mul3A_816 = arith.muli %add3A_702, %mul3A_815 : i32
        %add3A_817 = arith.constant 560 : i32
        %add3A_818 = arith.addi %mul3A_816, %add3A_817 : i32
        %dma_start3A_819 = arith.constant 0 : i32
        %dma_start3A_820 = arith.constant 0 : i32
        %dma_start3A_821 = arith.constant 560 : i32
        %dma_start3A_822 = arith.constant 0 : i32
        %dma_start3A_823 = tpu.memref_slice %arg6[%dma_start3A_819, %dma_start3A_821, %dma_start3A_822] : memref<2x800x64xf32, #tpu.memory_space<vmem>> -> memref<1x80x64xf32, #tpu.memory_space<vmem>>
        %dma_start3A_824 = tpu.memref_squeeze %dma_start3A_823 : memref<1x80x64xf32, #tpu.memory_space<vmem>> -> memref<80x64xf32, #tpu.memory_space<vmem>>
        %dma_start3A_825 = tpu.memref_slice %arg5[%add3A_818] : memref<25600xi32, #tpu.memory_space<vmem>> -> memref<80xi32, #tpu.memory_space<vmem>>
        %dma_start3A_826 = arith.constant 0 : i32
        %dma_start3A_827 = arith.constant 0 : i32
        %dma_start3A_828 = tpu.memref_slice %arg3[%dma_start3A_826, %dma_start3A_827] : memref<2000000x64xf32, #tpu.memory_space<hbm>> -> memref<2000000x64xf32, #tpu.memory_space<hbm>>
        %dma_start3A_829 = tpu.memref_slice %arg7[%dma_start3A_820] : memref<2x!tpu.dma_semaphore, #tpu.memory_space<semaphore_mem>> -> memref<1x!tpu.dma_semaphore, #tpu.memory_space<semaphore_mem>>
        %dma_start3A_830 = tpu.memref_squeeze %dma_start3A_829 : memref<1x!tpu.dma_semaphore, #tpu.memory_space<semaphore_mem>> -> memref<!tpu.dma_semaphore, #tpu.memory_space<semaphore_mem>>
        tpu.enqueue_indirect_dma source(%dma_start3A_828 : memref<2000000x64xf32, #tpu.memory_space<hbm>>) target(%dma_start3A_824 : memref<80x64xf32, #tpu.memory_space<vmem>>) offsets(%dma_start3A_825 : memref<80xi32, #tpu.memory_space<vmem>>) semaphore(%dma_start3A_830 : memref<!tpu.dma_semaphore, #tpu.memory_space<semaphore_mem>>)
        %mul3A_831 = arith.constant 800 : i32
        %mul3A_832 = arith.muli %add3A_702, %mul3A_831 : i32
        %add3A_833 = arith.constant 640 : i32
        %add3A_834 = arith.addi %mul3A_832, %add3A_833 : i32
        %dma_start3A_835 = arith.constant 0 : i32
        %dma_start3A_836 = arith.constant 0 : i32
        %dma_start3A_837 = arith.constant 640 : i32
        %dma_start3A_838 = arith.constant 0 : i32
        %dma_start3A_839 = tpu.memref_slice %arg6[%dma_start3A_835, %dma_start3A_837, %dma_start3A_838] : memref<2x800x64xf32, #tpu.memory_space<vmem>> -> memref<1x80x64xf32, #tpu.memory_space<vmem>>
        %dma_start3A_840 = tpu.memref_squeeze %dma_start3A_839 : memref<1x80x64xf32, #tpu.memory_space<vmem>> -> memref<80x64xf32, #tpu.memory_space<vmem>>
        %dma_start3A_841 = tpu.memref_slice %arg5[%add3A_834] : memref<25600xi32, #tpu.memory_space<vmem>> -> memref<80xi32, #tpu.memory_space<vmem>>
        %dma_start3A_842 = arith.constant 0 : i32
        %dma_start3A_843 = arith.constant 0 : i32
        %dma_start3A_844 = tpu.memref_slice %arg3[%dma_start3A_842, %dma_start3A_843] : memref<2000000x64xf32, #tpu.memory_space<hbm>> -> memref<2000000x64xf32, #tpu.memory_space<hbm>>
        %dma_start3A_845 = tpu.memref_slice %arg7[%dma_start3A_836] : memref<2x!tpu.dma_semaphore, #tpu.memory_space<semaphore_mem>> -> memref<1x!tpu.dma_semaphore, #tpu.memory_space<semaphore_mem>>
        %dma_start3A_846 = tpu.memref_squeeze %dma_start3A_845 : memref<1x!tpu.dma_semaphore, #tpu.memory_space<semaphore_mem>> -> memref<!tpu.dma_semaphore, #tpu.memory_space<semaphore_mem>>
        tpu.enqueue_indirect_dma source(%dma_start3A_844 : memref<2000000x64xf32, #tpu.memory_space<hbm>>) target(%dma_start3A_840 : memref<80x64xf32, #tpu.memory_space<vmem>>) offsets(%dma_start3A_841 : memref<80xi32, #tpu.memory_space<vmem>>) semaphore(%dma_start3A_846 : memref<!tpu.dma_semaphore, #tpu.memory_space<semaphore_mem>>)
        %mul3A_847 = arith.constant 800 : i32
        %mul3A_848 = arith.muli %add3A_702, %mul3A_847 : i32
        %add3A_849 = arith.constant 720 : i32
        %add3A_850 = arith.addi %mul3A_848, %add3A_849 : i32
        %dma_start3A_851 = arith.constant 0 : i32
        %dma_start3A_852 = arith.constant 0 : i32
        %dma_start3A_853 = arith.constant 720 : i32
        %dma_start3A_854 = arith.constant 0 : i32
        %dma_start3A_855 = tpu.memref_slice %arg6[%dma_start3A_851, %dma_start3A_853, %dma_start3A_854] : memref<2x800x64xf32, #tpu.memory_space<vmem>> -> memref<1x80x64xf32, #tpu.memory_space<vmem>>
        %dma_start3A_856 = tpu.memref_squeeze %dma_start3A_855 : memref<1x80x64xf32, #tpu.memory_space<vmem>> -> memref<80x64xf32, #tpu.memory_space<vmem>>
        %dma_start3A_857 = tpu.memref_slice %arg5[%add3A_850] : memref<25600xi32, #tpu.memory_space<vmem>> -> memref<80xi32, #tpu.memory_space<vmem>>
        %dma_start3A_858 = arith.constant 0 : i32
        %dma_start3A_859 = arith.constant 0 : i32
        %dma_start3A_860 = tpu.memref_slice %arg3[%dma_start3A_858, %dma_start3A_859] : memref<2000000x64xf32, #tpu.memory_space<hbm>> -> memref<2000000x64xf32, #tpu.memory_space<hbm>>
        %dma_start3A_861 = tpu.memref_slice %arg7[%dma_start3A_852] : memref<2x!tpu.dma_semaphore, #tpu.memory_space<semaphore_mem>> -> memref<1x!tpu.dma_semaphore, #tpu.memory_space<semaphore_mem>>
        %dma_start3A_862 = tpu.memref_squeeze %dma_start3A_861 : memref<1x!tpu.dma_semaphore, #tpu.memory_space<semaphore_mem>> -> memref<!tpu.dma_semaphore, #tpu.memory_space<semaphore_mem>>
        tpu.enqueue_indirect_dma source(%dma_start3A_860 : memref<2000000x64xf32, #tpu.memory_space<hbm>>) target(%dma_start3A_856 : memref<80x64xf32, #tpu.memory_space<vmem>>) offsets(%dma_start3A_857 : memref<80xi32, #tpu.memory_space<vmem>>) semaphore(%dma_start3A_862 : memref<!tpu.dma_semaphore, #tpu.memory_space<semaphore_mem>>)
      } else {
      }
      %mul3A_494 = arith.constant 2 : i32
      %mul3A_495 = arith.muli %scan3A_308, %mul3A_494 : i32
      %add3A_496 = arith.constant 1 : i32
      %add3A_497 = arith.addi %mul3A_495, %add3A_496 : i32
      %mul3A_498 = arith.constant 800 : i32
      %mul3A_499 = arith.muli %add3A_497, %mul3A_498 : i32
      %add3A_500 = arith.constant 0 : i32
      %add3A_501 = arith.addi %mul3A_499, %add3A_500 : i32
      %dma_wait3A_502 = arith.constant 1 : i32
      %dma_wait3A_503 = arith.constant 1 : i32
      %dma_wait3A_504 = arith.constant 0 : i32
      %dma_wait3A_505 = arith.constant 0 : i32
      %dma_wait3A_506 = tpu.memref_slice %arg6[%dma_wait3A_502, %dma_wait3A_504, %dma_wait3A_505] : memref<2x800x64xf32, #tpu.memory_space<vmem>> -> memref<1x80x64xf32, #tpu.memory_space<vmem>>
      %dma_wait3A_507 = tpu.memref_squeeze %dma_wait3A_506 : memref<1x80x64xf32, #tpu.memory_space<vmem>> -> memref<80x64xf32, #tpu.memory_space<vmem>>
      %dma_wait3A_508 = tpu.memref_slice %arg5[%add3A_501] : memref<25600xi32, #tpu.memory_space<vmem>> -> memref<80xi32, #tpu.memory_space<vmem>>
      %dma_wait3A_509 = arith.constant 0 : i32
      %dma_wait3A_510 = arith.constant 0 : i32
      %dma_wait3A_511 = tpu.memref_slice %arg3[%dma_wait3A_509, %dma_wait3A_510] : memref<2000000x64xf32, #tpu.memory_space<hbm>> -> memref<2000000x64xf32, #tpu.memory_space<hbm>>
      %dma_wait3A_512 = tpu.memref_slice %arg7[%dma_wait3A_503] : memref<2x!tpu.dma_semaphore, #tpu.memory_space<semaphore_mem>> -> memref<1x!tpu.dma_semaphore, #tpu.memory_space<semaphore_mem>>
      %dma_wait3A_513 = tpu.memref_squeeze %dma_wait3A_512 : memref<1x!tpu.dma_semaphore, #tpu.memory_space<semaphore_mem>> -> memref<!tpu.dma_semaphore, #tpu.memory_space<semaphore_mem>>
      tpu.wait_indirect_dma semaphore(%dma_wait3A_513 : memref<!tpu.dma_semaphore, #tpu.memory_space<semaphore_mem>>) src(%dma_wait3A_511 : memref<2000000x64xf32, #tpu.memory_space<hbm>>) dst(%dma_wait3A_507 : memref<80x64xf32, #tpu.memory_space<vmem>>)
      %mul3A_514 = arith.constant 800 : i32
      %mul3A_515 = arith.muli %add3A_497, %mul3A_514 : i32
      %add3A_516 = arith.constant 80 : i32
      %add3A_517 = arith.addi %mul3A_515, %add3A_516 : i32
      %dma_wait3A_518 = arith.constant 1 : i32
      %dma_wait3A_519 = arith.constant 1 : i32
      %dma_wait3A_520 = arith.constant 80 : i32
      %dma_wait3A_521 = arith.constant 0 : i32
      %dma_wait3A_522 = tpu.memref_slice %arg6[%dma_wait3A_518, %dma_wait3A_520, %dma_wait3A_521] : memref<2x800x64xf32, #tpu.memory_space<vmem>> -> memref<1x80x64xf32, #tpu.memory_space<vmem>>
      %dma_wait3A_523 = tpu.memref_squeeze %dma_wait3A_522 : memref<1x80x64xf32, #tpu.memory_space<vmem>> -> memref<80x64xf32, #tpu.memory_space<vmem>>
      %dma_wait3A_524 = tpu.memref_slice %arg5[%add3A_517] : memref<25600xi32, #tpu.memory_space<vmem>> -> memref<80xi32, #tpu.memory_space<vmem>>
      %dma_wait3A_525 = arith.constant 0 : i32
      %dma_wait3A_526 = arith.constant 0 : i32
      %dma_wait3A_527 = tpu.memref_slice %arg3[%dma_wait3A_525, %dma_wait3A_526] : memref<2000000x64xf32, #tpu.memory_space<hbm>> -> memref<2000000x64xf32, #tpu.memory_space<hbm>>
      %dma_wait3A_528 = tpu.memref_slice %arg7[%dma_wait3A_519] : memref<2x!tpu.dma_semaphore, #tpu.memory_space<semaphore_mem>> -> memref<1x!tpu.dma_semaphore, #tpu.memory_space<semaphore_mem>>
      %dma_wait3A_529 = tpu.memref_squeeze %dma_wait3A_528 : memref<1x!tpu.dma_semaphore, #tpu.memory_space<semaphore_mem>> -> memref<!tpu.dma_semaphore, #tpu.memory_space<semaphore_mem>>
      tpu.wait_indirect_dma semaphore(%dma_wait3A_529 : memref<!tpu.dma_semaphore, #tpu.memory_space<semaphore_mem>>) src(%dma_wait3A_527 : memref<2000000x64xf32, #tpu.memory_space<hbm>>) dst(%dma_wait3A_523 : memref<80x64xf32, #tpu.memory_space<vmem>>)
      %mul3A_530 = arith.constant 800 : i32
      %mul3A_531 = arith.muli %add3A_497, %mul3A_530 : i32
      %add3A_532 = arith.constant 160 : i32
      %add3A_533 = arith.addi %mul3A_531, %add3A_532 : i32
      %dma_wait3A_534 = arith.constant 1 : i32
      %dma_wait3A_535 = arith.constant 1 : i32
      %dma_wait3A_536 = arith.constant 160 : i32
      %dma_wait3A_537 = arith.constant 0 : i32
      %dma_wait3A_538 = tpu.memref_slice %arg6[%dma_wait3A_534, %dma_wait3A_536, %dma_wait3A_537] : memref<2x800x64xf32, #tpu.memory_space<vmem>> -> memref<1x80x64xf32, #tpu.memory_space<vmem>>
      %dma_wait3A_539 = tpu.memref_squeeze %dma_wait3A_538 : memref<1x80x64xf32, #tpu.memory_space<vmem>> -> memref<80x64xf32, #tpu.memory_space<vmem>>
      %dma_wait3A_540 = tpu.memref_slice %arg5[%add3A_533] : memref<25600xi32, #tpu.memory_space<vmem>> -> memref<80xi32, #tpu.memory_space<vmem>>
      %dma_wait3A_541 = arith.constant 0 : i32
      %dma_wait3A_542 = arith.constant 0 : i32
      %dma_wait3A_543 = tpu.memref_slice %arg3[%dma_wait3A_541, %dma_wait3A_542] : memref<2000000x64xf32, #tpu.memory_space<hbm>> -> memref<2000000x64xf32, #tpu.memory_space<hbm>>
      %dma_wait3A_544 = tpu.memref_slice %arg7[%dma_wait3A_535] : memref<2x!tpu.dma_semaphore, #tpu.memory_space<semaphore_mem>> -> memref<1x!tpu.dma_semaphore, #tpu.memory_space<semaphore_mem>>
      %dma_wait3A_545 = tpu.memref_squeeze %dma_wait3A_544 : memref<1x!tpu.dma_semaphore, #tpu.memory_space<semaphore_mem>> -> memref<!tpu.dma_semaphore, #tpu.memory_space<semaphore_mem>>
      tpu.wait_indirect_dma semaphore(%dma_wait3A_545 : memref<!tpu.dma_semaphore, #tpu.memory_space<semaphore_mem>>) src(%dma_wait3A_543 : memref<2000000x64xf32, #tpu.memory_space<hbm>>) dst(%dma_wait3A_539 : memref<80x64xf32, #tpu.memory_space<vmem>>)
      %mul3A_546 = arith.constant 800 : i32
      %mul3A_547 = arith.muli %add3A_497, %mul3A_546 : i32
      %add3A_548 = arith.constant 240 : i32
      %add3A_549 = arith.addi %mul3A_547, %add3A_548 : i32
      %dma_wait3A_550 = arith.constant 1 : i32
      %dma_wait3A_551 = arith.constant 1 : i32
      %dma_wait3A_552 = arith.constant 240 : i32
      %dma_wait3A_553 = arith.constant 0 : i32
      %dma_wait3A_554 = tpu.memref_slice %arg6[%dma_wait3A_550, %dma_wait3A_552, %dma_wait3A_553] : memref<2x800x64xf32, #tpu.memory_space<vmem>> -> memref<1x80x64xf32, #tpu.memory_space<vmem>>
      %dma_wait3A_555 = tpu.memref_squeeze %dma_wait3A_554 : memref<1x80x64xf32, #tpu.memory_space<vmem>> -> memref<80x64xf32, #tpu.memory_space<vmem>>
      %dma_wait3A_556 = tpu.memref_slice %arg5[%add3A_549] : memref<25600xi32, #tpu.memory_space<vmem>> -> memref<80xi32, #tpu.memory_space<vmem>>
      %dma_wait3A_557 = arith.constant 0 : i32
      %dma_wait3A_558 = arith.constant 0 : i32
      %dma_wait3A_559 = tpu.memref_slice %arg3[%dma_wait3A_557, %dma_wait3A_558] : memref<2000000x64xf32, #tpu.memory_space<hbm>> -> memref<2000000x64xf32, #tpu.memory_space<hbm>>
      %dma_wait3A_560 = tpu.memref_slice %arg7[%dma_wait3A_551] : memref<2x!tpu.dma_semaphore, #tpu.memory_space<semaphore_mem>> -> memref<1x!tpu.dma_semaphore, #tpu.memory_space<semaphore_mem>>
      %dma_wait3A_561 = tpu.memref_squeeze %dma_wait3A_560 : memref<1x!tpu.dma_semaphore, #tpu.memory_space<semaphore_mem>> -> memref<!tpu.dma_semaphore, #tpu.memory_space<semaphore_mem>>
      tpu.wait_indirect_dma semaphore(%dma_wait3A_561 : memref<!tpu.dma_semaphore, #tpu.memory_space<semaphore_mem>>) src(%dma_wait3A_559 : memref<2000000x64xf32, #tpu.memory_space<hbm>>) dst(%dma_wait3A_555 : memref<80x64xf32, #tpu.memory_space<vmem>>)
      %mul3A_562 = arith.constant 800 : i32
      %mul3A_563 = arith.muli %add3A_497, %mul3A_562 : i32
      %add3A_564 = arith.constant 320 : i32
      %add3A_565 = arith.addi %mul3A_563, %add3A_564 : i32
      %dma_wait3A_566 = arith.constant 1 : i32
      %dma_wait3A_567 = arith.constant 1 : i32
      %dma_wait3A_568 = arith.constant 320 : i32
      %dma_wait3A_569 = arith.constant 0 : i32
      %dma_wait3A_570 = tpu.memref_slice %arg6[%dma_wait3A_566, %dma_wait3A_568, %dma_wait3A_569] : memref<2x800x64xf32, #tpu.memory_space<vmem>> -> memref<1x80x64xf32, #tpu.memory_space<vmem>>
      %dma_wait3A_571 = tpu.memref_squeeze %dma_wait3A_570 : memref<1x80x64xf32, #tpu.memory_space<vmem>> -> memref<80x64xf32, #tpu.memory_space<vmem>>
      %dma_wait3A_572 = tpu.memref_slice %arg5[%add3A_565] : memref<25600xi32, #tpu.memory_space<vmem>> -> memref<80xi32, #tpu.memory_space<vmem>>
      %dma_wait3A_573 = arith.constant 0 : i32
      %dma_wait3A_574 = arith.constant 0 : i32
      %dma_wait3A_575 = tpu.memref_slice %arg3[%dma_wait3A_573, %dma_wait3A_574] : memref<2000000x64xf32, #tpu.memory_space<hbm>> -> memref<2000000x64xf32, #tpu.memory_space<hbm>>
      %dma_wait3A_576 = tpu.memref_slice %arg7[%dma_wait3A_567] : memref<2x!tpu.dma_semaphore, #tpu.memory_space<semaphore_mem>> -> memref<1x!tpu.dma_semaphore, #tpu.memory_space<semaphore_mem>>
      %dma_wait3A_577 = tpu.memref_squeeze %dma_wait3A_576 : memref<1x!tpu.dma_semaphore, #tpu.memory_space<semaphore_mem>> -> memref<!tpu.dma_semaphore, #tpu.memory_space<semaphore_mem>>
      tpu.wait_indirect_dma semaphore(%dma_wait3A_577 : memref<!tpu.dma_semaphore, #tpu.memory_space<semaphore_mem>>) src(%dma_wait3A_575 : memref<2000000x64xf32, #tpu.memory_space<hbm>>) dst(%dma_wait3A_571 : memref<80x64xf32, #tpu.memory_space<vmem>>)
      %mul3A_578 = arith.constant 800 : i32
      %mul3A_579 = arith.muli %add3A_497, %mul3A_578 : i32
      %add3A_580 = arith.constant 400 : i32
      %add3A_581 = arith.addi %mul3A_579, %add3A_580 : i32
      %dma_wait3A_582 = arith.constant 1 : i32
      %dma_wait3A_583 = arith.constant 1 : i32
      %dma_wait3A_584 = arith.constant 400 : i32
      %dma_wait3A_585 = arith.constant 0 : i32
      %dma_wait3A_586 = tpu.memref_slice %arg6[%dma_wait3A_582, %dma_wait3A_584, %dma_wait3A_585] : memref<2x800x64xf32, #tpu.memory_space<vmem>> -> memref<1x80x64xf32, #tpu.memory_space<vmem>>
      %dma_wait3A_587 = tpu.memref_squeeze %dma_wait3A_586 : memref<1x80x64xf32, #tpu.memory_space<vmem>> -> memref<80x64xf32, #tpu.memory_space<vmem>>
      %dma_wait3A_588 = tpu.memref_slice %arg5[%add3A_581] : memref<25600xi32, #tpu.memory_space<vmem>> -> memref<80xi32, #tpu.memory_space<vmem>>
      %dma_wait3A_589 = arith.constant 0 : i32
      %dma_wait3A_590 = arith.constant 0 : i32
      %dma_wait3A_591 = tpu.memref_slice %arg3[%dma_wait3A_589, %dma_wait3A_590] : memref<2000000x64xf32, #tpu.memory_space<hbm>> -> memref<2000000x64xf32, #tpu.memory_space<hbm>>
      %dma_wait3A_592 = tpu.memref_slice %arg7[%dma_wait3A_583] : memref<2x!tpu.dma_semaphore, #tpu.memory_space<semaphore_mem>> -> memref<1x!tpu.dma_semaphore, #tpu.memory_space<semaphore_mem>>
      %dma_wait3A_593 = tpu.memref_squeeze %dma_wait3A_592 : memref<1x!tpu.dma_semaphore, #tpu.memory_space<semaphore_mem>> -> memref<!tpu.dma_semaphore, #tpu.memory_space<semaphore_mem>>
      tpu.wait_indirect_dma semaphore(%dma_wait3A_593 : memref<!tpu.dma_semaphore, #tpu.memory_space<semaphore_mem>>) src(%dma_wait3A_591 : memref<2000000x64xf32, #tpu.memory_space<hbm>>) dst(%dma_wait3A_587 : memref<80x64xf32, #tpu.memory_space<vmem>>)
      %mul3A_594 = arith.constant 800 : i32
      %mul3A_595 = arith.muli %add3A_497, %mul3A_594 : i32
      %add3A_596 = arith.constant 480 : i32
      %add3A_597 = arith.addi %mul3A_595, %add3A_596 : i32
      %dma_wait3A_598 = arith.constant 1 : i32
      %dma_wait3A_599 = arith.constant 1 : i32
      %dma_wait3A_600 = arith.constant 480 : i32
      %dma_wait3A_601 = arith.constant 0 : i32
      %dma_wait3A_602 = tpu.memref_slice %arg6[%dma_wait3A_598, %dma_wait3A_600, %dma_wait3A_601] : memref<2x800x64xf32, #tpu.memory_space<vmem>> -> memref<1x80x64xf32, #tpu.memory_space<vmem>>
      %dma_wait3A_603 = tpu.memref_squeeze %dma_wait3A_602 : memref<1x80x64xf32, #tpu.memory_space<vmem>> -> memref<80x64xf32, #tpu.memory_space<vmem>>
      %dma_wait3A_604 = tpu.memref_slice %arg5[%add3A_597] : memref<25600xi32, #tpu.memory_space<vmem>> -> memref<80xi32, #tpu.memory_space<vmem>>
      %dma_wait3A_605 = arith.constant 0 : i32
      %dma_wait3A_606 = arith.constant 0 : i32
      %dma_wait3A_607 = tpu.memref_slice %arg3[%dma_wait3A_605, %dma_wait3A_606] : memref<2000000x64xf32, #tpu.memory_space<hbm>> -> memref<2000000x64xf32, #tpu.memory_space<hbm>>
      %dma_wait3A_608 = tpu.memref_slice %arg7[%dma_wait3A_599] : memref<2x!tpu.dma_semaphore, #tpu.memory_space<semaphore_mem>> -> memref<1x!tpu.dma_semaphore, #tpu.memory_space<semaphore_mem>>
      %dma_wait3A_609 = tpu.memref_squeeze %dma_wait3A_608 : memref<1x!tpu.dma_semaphore, #tpu.memory_space<semaphore_mem>> -> memref<!tpu.dma_semaphore, #tpu.memory_space<semaphore_mem>>
      tpu.wait_indirect_dma semaphore(%dma_wait3A_609 : memref<!tpu.dma_semaphore, #tpu.memory_space<semaphore_mem>>) src(%dma_wait3A_607 : memref<2000000x64xf32, #tpu.memory_space<hbm>>) dst(%dma_wait3A_603 : memref<80x64xf32, #tpu.memory_space<vmem>>)
      %mul3A_610 = arith.constant 800 : i32
      %mul3A_611 = arith.muli %add3A_497, %mul3A_610 : i32
      %add3A_612 = arith.constant 560 : i32
      %add3A_613 = arith.addi %mul3A_611, %add3A_612 : i32
      %dma_wait3A_614 = arith.constant 1 : i32
      %dma_wait3A_615 = arith.constant 1 : i32
      %dma_wait3A_616 = arith.constant 560 : i32
      %dma_wait3A_617 = arith.constant 0 : i32
      %dma_wait3A_618 = tpu.memref_slice %arg6[%dma_wait3A_614, %dma_wait3A_616, %dma_wait3A_617] : memref<2x800x64xf32, #tpu.memory_space<vmem>> -> memref<1x80x64xf32, #tpu.memory_space<vmem>>
      %dma_wait3A_619 = tpu.memref_squeeze %dma_wait3A_618 : memref<1x80x64xf32, #tpu.memory_space<vmem>> -> memref<80x64xf32, #tpu.memory_space<vmem>>
      %dma_wait3A_620 = tpu.memref_slice %arg5[%add3A_613] : memref<25600xi32, #tpu.memory_space<vmem>> -> memref<80xi32, #tpu.memory_space<vmem>>
      %dma_wait3A_621 = arith.constant 0 : i32
      %dma_wait3A_622 = arith.constant 0 : i32
      %dma_wait3A_623 = tpu.memref_slice %arg3[%dma_wait3A_621, %dma_wait3A_622] : memref<2000000x64xf32, #tpu.memory_space<hbm>> -> memref<2000000x64xf32, #tpu.memory_space<hbm>>
      %dma_wait3A_624 = tpu.memref_slice %arg7[%dma_wait3A_615] : memref<2x!tpu.dma_semaphore, #tpu.memory_space<semaphore_mem>> -> memref<1x!tpu.dma_semaphore, #tpu.memory_space<semaphore_mem>>
      %dma_wait3A_625 = tpu.memref_squeeze %dma_wait3A_624 : memref<1x!tpu.dma_semaphore, #tpu.memory_space<semaphore_mem>> -> memref<!tpu.dma_semaphore, #tpu.memory_space<semaphore_mem>>
      tpu.wait_indirect_dma semaphore(%dma_wait3A_625 : memref<!tpu.dma_semaphore, #tpu.memory_space<semaphore_mem>>) src(%dma_wait3A_623 : memref<2000000x64xf32, #tpu.memory_space<hbm>>) dst(%dma_wait3A_619 : memref<80x64xf32, #tpu.memory_space<vmem>>)
      %mul3A_626 = arith.constant 800 : i32
      %mul3A_627 = arith.muli %add3A_497, %mul3A_626 : i32
      %add3A_628 = arith.constant 640 : i32
      %add3A_629 = arith.addi %mul3A_627, %add3A_628 : i32
      %dma_wait3A_630 = arith.constant 1 : i32
      %dma_wait3A_631 = arith.constant 1 : i32
      %dma_wait3A_632 = arith.constant 640 : i32
      %dma_wait3A_633 = arith.constant 0 : i32
      %dma_wait3A_634 = tpu.memref_slice %arg6[%dma_wait3A_630, %dma_wait3A_632, %dma_wait3A_633] : memref<2x800x64xf32, #tpu.memory_space<vmem>> -> memref<1x80x64xf32, #tpu.memory_space<vmem>>
      %dma_wait3A_635 = tpu.memref_squeeze %dma_wait3A_634 : memref<1x80x64xf32, #tpu.memory_space<vmem>> -> memref<80x64xf32, #tpu.memory_space<vmem>>
      %dma_wait3A_636 = tpu.memref_slice %arg5[%add3A_629] : memref<25600xi32, #tpu.memory_space<vmem>> -> memref<80xi32, #tpu.memory_space<vmem>>
      %dma_wait3A_637 = arith.constant 0 : i32
      %dma_wait3A_638 = arith.constant 0 : i32
      %dma_wait3A_639 = tpu.memref_slice %arg3[%dma_wait3A_637, %dma_wait3A_638] : memref<2000000x64xf32, #tpu.memory_space<hbm>> -> memref<2000000x64xf32, #tpu.memory_space<hbm>>
      %dma_wait3A_640 = tpu.memref_slice %arg7[%dma_wait3A_631] : memref<2x!tpu.dma_semaphore, #tpu.memory_space<semaphore_mem>> -> memref<1x!tpu.dma_semaphore, #tpu.memory_space<semaphore_mem>>
      %dma_wait3A_641 = tpu.memref_squeeze %dma_wait3A_640 : memref<1x!tpu.dma_semaphore, #tpu.memory_space<semaphore_mem>> -> memref<!tpu.dma_semaphore, #tpu.memory_space<semaphore_mem>>
      tpu.wait_indirect_dma semaphore(%dma_wait3A_641 : memref<!tpu.dma_semaphore, #tpu.memory_space<semaphore_mem>>) src(%dma_wait3A_639 : memref<2000000x64xf32, #tpu.memory_space<hbm>>) dst(%dma_wait3A_635 : memref<80x64xf32, #tpu.memory_space<vmem>>)
      %mul3A_642 = arith.constant 800 : i32
      %mul3A_643 = arith.muli %add3A_497, %mul3A_642 : i32
      %add3A_644 = arith.constant 720 : i32
      %add3A_645 = arith.addi %mul3A_643, %add3A_644 : i32
      %dma_wait3A_646 = arith.constant 1 : i32
      %dma_wait3A_647 = arith.constant 1 : i32
      %dma_wait3A_648 = arith.constant 720 : i32
      %dma_wait3A_649 = arith.constant 0 : i32
      %dma_wait3A_650 = tpu.memref_slice %arg6[%dma_wait3A_646, %dma_wait3A_648, %dma_wait3A_649] : memref<2x800x64xf32, #tpu.memory_space<vmem>> -> memref<1x80x64xf32, #tpu.memory_space<vmem>>
      %dma_wait3A_651 = tpu.memref_squeeze %dma_wait3A_650 : memref<1x80x64xf32, #tpu.memory_space<vmem>> -> memref<80x64xf32, #tpu.memory_space<vmem>>
      %dma_wait3A_652 = tpu.memref_slice %arg5[%add3A_645] : memref<25600xi32, #tpu.memory_space<vmem>> -> memref<80xi32, #tpu.memory_space<vmem>>
      %dma_wait3A_653 = arith.constant 0 : i32
      %dma_wait3A_654 = arith.constant 0 : i32
      %dma_wait3A_655 = tpu.memref_slice %arg3[%dma_wait3A_653, %dma_wait3A_654] : memref<2000000x64xf32, #tpu.memory_space<hbm>> -> memref<2000000x64xf32, #tpu.memory_space<hbm>>
      %dma_wait3A_656 = tpu.memref_slice %arg7[%dma_wait3A_647] : memref<2x!tpu.dma_semaphore, #tpu.memory_space<semaphore_mem>> -> memref<1x!tpu.dma_semaphore, #tpu.memory_space<semaphore_mem>>
      %dma_wait3A_657 = tpu.memref_squeeze %dma_wait3A_656 : memref<1x!tpu.dma_semaphore, #tpu.memory_space<semaphore_mem>> -> memref<!tpu.dma_semaphore, #tpu.memory_space<semaphore_mem>>
      tpu.wait_indirect_dma semaphore(%dma_wait3A_657 : memref<!tpu.dma_semaphore, #tpu.memory_space<semaphore_mem>>) src(%dma_wait3A_655 : memref<2000000x64xf32, #tpu.memory_space<hbm>>) dst(%dma_wait3A_651 : memref<80x64xf32, #tpu.memory_space<vmem>>)
      %mul3A_658 = arith.constant 800 : i32
      %mul3A_659 = arith.muli %add3A_497, %mul3A_658 : i32
      %add3A_660 = arith.addi %mul3A_2, %mul3A_659 : i32
      %dma_start3A_661 = arith.constant 1 : i32
      %dma_start3A_662 = arith.constant 1 : i32
      %dma_start3A_663 = arith.constant 0 : i32
      %dma_start3A_664 = arith.constant 0 : i32
      %dma_start3A_665 = tpu.memref_slice %arg6[%dma_start3A_661, %dma_start3A_663, %dma_start3A_664] : memref<2x800x64xf32, #tpu.memory_space<vmem>> -> memref<1x800x64xf32, #tpu.memory_space<vmem>>
      %dma_start3A_666 = tpu.memref_squeeze %dma_start3A_665 : memref<1x800x64xf32, #tpu.memory_space<vmem>> -> memref<800x64xf32, #tpu.memory_space<vmem>>
      %dma_start3A_667 = arith.constant 0 : i32
      %dma_start3A_668 = tpu.memref_slice %arg4[%add3A_660, %dma_start3A_667] : memref<819200x128xf32, #tpu.memory_space<hbm>> -> memref<800x64xf32, #tpu.memory_space<hbm>>
      %dma_start3A_669 = tpu.memref_slice %arg8[%dma_start3A_662] : memref<2x!tpu.dma_semaphore, #tpu.memory_space<semaphore_mem>> -> memref<1x!tpu.dma_semaphore, #tpu.memory_space<semaphore_mem>>
      %dma_start3A_670 = tpu.memref_squeeze %dma_start3A_669 : memref<1x!tpu.dma_semaphore, #tpu.memory_space<semaphore_mem>> -> memref<!tpu.dma_semaphore, #tpu.memory_space<semaphore_mem>>
      %dma_start3A_671 = arith.constant 0 : i32
      %dma_start3A_672 = tpu.memref_slice %arg4[%add3A_660, %dma_start3A_671] : memref<819200x128xf32, #tpu.memory_space<hbm>> -> memref<800x64xf32, #tpu.memory_space<hbm>>
      %dma_start3A_673 = arith.constant 0 : i32
      %dma_start3A_674 = arith.constant 0 : i32
      %dma_start3A_675 = tpu.memref_slice %arg6[%dma_start3A_661, %dma_start3A_673, %dma_start3A_674] : memref<2x800x64xf32, #tpu.memory_space<vmem>> -> memref<1x800x64xf32, #tpu.memory_space<vmem>>
      %dma_start3A_676 = tpu.memref_squeeze %dma_start3A_675 : memref<1x800x64xf32, #tpu.memory_space<vmem>> -> memref<800x64xf32, #tpu.memory_space<vmem>>
      tpu.enqueue_dma source(%dma_start3A_676 : memref<800x64xf32, #tpu.memory_space<vmem>>) target(%dma_start3A_672 : memref<800x64xf32, #tpu.memory_space<hbm>>) target_semaphore(%dma_start3A_670 : memref<!tpu.dma_semaphore, #tpu.memory_space<semaphore_mem>>)
      %lt3A_677 = arith.constant 30 : i32
      %lt3A_678 = arith.cmpi slt, %add3A_497, %lt3A_677 : i32
      %convert_element_type3A_679 = arith.extui %lt3A_678 : i1 to i32
      %cond3A_680 = arith.constant 0 : i32
      %cond3A_681 = arith.cmpi ne, %convert_element_type3A_679, %cond3A_680 : i32
      scf.if %cond3A_681 {
        %mul3A_682 = arith.constant 800 : i32
        %mul3A_683 = arith.muli %add3A_497, %mul3A_682 : i32
        %add3A_684 = arith.addi %mul3A_2, %mul3A_683 : i32
        %dma_wait3A_685 = arith.constant 1 : i32
        %dma_wait3A_686 = arith.constant 1 : i32
        %dma_wait3A_687 = arith.constant 0 : i32
        %dma_wait3A_688 = arith.constant 0 : i32
        %dma_wait3A_689 = tpu.memref_slice %arg6[%dma_wait3A_685, %dma_wait3A_687, %dma_wait3A_688] : memref<2x800x64xf32, #tpu.memory_space<vmem>> -> memref<1x800x64xf32, #tpu.memory_space<vmem>>
        %dma_wait3A_690 = tpu.memref_squeeze %dma_wait3A_689 : memref<1x800x64xf32, #tpu.memory_space<vmem>> -> memref<800x64xf32, #tpu.memory_space<vmem>>
        %dma_wait3A_691 = arith.constant 0 : i32
        %dma_wait3A_692 = tpu.memref_slice %arg4[%add3A_684, %dma_wait3A_691] : memref<819200x128xf32, #tpu.memory_space<hbm>> -> memref<800x64xf32, #tpu.memory_space<hbm>>
        %dma_wait3A_693 = tpu.memref_slice %arg8[%dma_wait3A_686] : memref<2x!tpu.dma_semaphore, #tpu.memory_space<semaphore_mem>> -> memref<1x!tpu.dma_semaphore, #tpu.memory_space<semaphore_mem>>
        %dma_wait3A_694 = tpu.memref_squeeze %dma_wait3A_693 : memref<1x!tpu.dma_semaphore, #tpu.memory_space<semaphore_mem>> -> memref<!tpu.dma_semaphore, #tpu.memory_space<semaphore_mem>>
        %dma_wait3A_695 = arith.constant 0 : i32
        %dma_wait3A_696 = tpu.memref_slice %arg4[%add3A_684, %dma_wait3A_695] : memref<819200x128xf32, #tpu.memory_space<hbm>> -> memref<800x64xf32, #tpu.memory_space<hbm>>
        %dma_wait3A_697 = arith.constant 0 : i32
        %dma_wait3A_698 = arith.constant 0 : i32
        %dma_wait3A_699 = tpu.memref_slice %arg6[%dma_wait3A_685, %dma_wait3A_697, %dma_wait3A_698] : memref<2x800x64xf32, #tpu.memory_space<vmem>> -> memref<1x800x64xf32, #tpu.memory_space<vmem>>
        %dma_wait3A_700 = tpu.memref_squeeze %dma_wait3A_699 : memref<1x800x64xf32, #tpu.memory_space<vmem>> -> memref<800x64xf32, #tpu.memory_space<vmem>>
        tpu.wait_dma2 semaphore(%dma_wait3A_694 : memref<!tpu.dma_semaphore, #tpu.memory_space<semaphore_mem>>) src(%dma_wait3A_700 : memref<800x64xf32, #tpu.memory_space<vmem>>) dst(%dma_wait3A_696 : memref<800x64xf32, #tpu.memory_space<hbm>>)
        %add3A_701 = arith.constant 2 : i32
        %add3A_702 = arith.addi %add3A_497, %add3A_701 : i32
        %mul3A_703 = arith.constant 800 : i32
        %mul3A_704 = arith.muli %add3A_702, %mul3A_703 : i32
        %add3A_705 = arith.constant 0 : i32
        %add3A_706 = arith.addi %mul3A_704, %add3A_705 : i32
        %dma_start3A_707 = arith.constant 1 : i32
        %dma_start3A_708 = arith.constant 1 : i32
        %dma_start3A_709 = arith.constant 0 : i32
        %dma_start3A_710 = arith.constant 0 : i32
        %dma_start3A_711 = tpu.memref_slice %arg6[%dma_start3A_707, %dma_start3A_709, %dma_start3A_710] : memref<2x800x64xf32, #tpu.memory_space<vmem>> -> memref<1x80x64xf32, #tpu.memory_space<vmem>>
        %dma_start3A_712 = tpu.memref_squeeze %dma_start3A_711 : memref<1x80x64xf32, #tpu.memory_space<vmem>> -> memref<80x64xf32, #tpu.memory_space<vmem>>
        %dma_start3A_713 = tpu.memref_slice %arg5[%add3A_706] : memref<25600xi32, #tpu.memory_space<vmem>> -> memref<80xi32, #tpu.memory_space<vmem>>
        %dma_start3A_714 = arith.constant 0 : i32
        %dma_start3A_715 = arith.constant 0 : i32
        %dma_start3A_716 = tpu.memref_slice %arg3[%dma_start3A_714, %dma_start3A_715] : memref<2000000x64xf32, #tpu.memory_space<hbm>> -> memref<2000000x64xf32, #tpu.memory_space<hbm>>
        %dma_start3A_717 = tpu.memref_slice %arg7[%dma_start3A_708] : memref<2x!tpu.dma_semaphore, #tpu.memory_space<semaphore_mem>> -> memref<1x!tpu.dma_semaphore, #tpu.memory_space<semaphore_mem>>
        %dma_start3A_718 = tpu.memref_squeeze %dma_start3A_717 : memref<1x!tpu.dma_semaphore, #tpu.memory_space<semaphore_mem>> -> memref<!tpu.dma_semaphore, #tpu.memory_space<semaphore_mem>>
        tpu.enqueue_indirect_dma source(%dma_start3A_716 : memref<2000000x64xf32, #tpu.memory_space<hbm>>) target(%dma_start3A_712 : memref<80x64xf32, #tpu.memory_space<vmem>>) offsets(%dma_start3A_713 : memref<80xi32, #tpu.memory_space<vmem>>) semaphore(%dma_start3A_718 : memref<!tpu.dma_semaphore, #tpu.memory_space<semaphore_mem>>)
        %mul3A_719 = arith.constant 800 : i32
        %mul3A_720 = arith.muli %add3A_702, %mul3A_719 : i32
        %add3A_721 = arith.constant 80 : i32
        %add3A_722 = arith.addi %mul3A_720, %add3A_721 : i32
        %dma_start3A_723 = arith.constant 1 : i32
        %dma_start3A_724 = arith.constant 1 : i32
        %dma_start3A_725 = arith.constant 80 : i32
        %dma_start3A_726 = arith.constant 0 : i32
        %dma_start3A_727 = tpu.memref_slice %arg6[%dma_start3A_723, %dma_start3A_725, %dma_start3A_726] : memref<2x800x64xf32, #tpu.memory_space<vmem>> -> memref<1x80x64xf32, #tpu.memory_space<vmem>>
        %dma_start3A_728 = tpu.memref_squeeze %dma_start3A_727 : memref<1x80x64xf32, #tpu.memory_space<vmem>> -> memref<80x64xf32, #tpu.memory_space<vmem>>
        %dma_start3A_729 = tpu.memref_slice %arg5[%add3A_722] : memref<25600xi32, #tpu.memory_space<vmem>> -> memref<80xi32, #tpu.memory_space<vmem>>
        %dma_start3A_730 = arith.constant 0 : i32
        %dma_start3A_731 = arith.constant 0 : i32
        %dma_start3A_732 = tpu.memref_slice %arg3[%dma_start3A_730, %dma_start3A_731] : memref<2000000x64xf32, #tpu.memory_space<hbm>> -> memref<2000000x64xf32, #tpu.memory_space<hbm>>
        %dma_start3A_733 = tpu.memref_slice %arg7[%dma_start3A_724] : memref<2x!tpu.dma_semaphore, #tpu.memory_space<semaphore_mem>> -> memref<1x!tpu.dma_semaphore, #tpu.memory_space<semaphore_mem>>
        %dma_start3A_734 = tpu.memref_squeeze %dma_start3A_733 : memref<1x!tpu.dma_semaphore, #tpu.memory_space<semaphore_mem>> -> memref<!tpu.dma_semaphore, #tpu.memory_space<semaphore_mem>>
        tpu.enqueue_indirect_dma source(%dma_start3A_732 : memref<2000000x64xf32, #tpu.memory_space<hbm>>) target(%dma_start3A_728 : memref<80x64xf32, #tpu.memory_space<vmem>>) offsets(%dma_start3A_729 : memref<80xi32, #tpu.memory_space<vmem>>) semaphore(%dma_start3A_734 : memref<!tpu.dma_semaphore, #tpu.memory_space<semaphore_mem>>)
        %mul3A_735 = arith.constant 800 : i32
        %mul3A_736 = arith.muli %add3A_702, %mul3A_735 : i32
        %add3A_737 = arith.constant 160 : i32
        %add3A_738 = arith.addi %mul3A_736, %add3A_737 : i32
        %dma_start3A_739 = arith.constant 1 : i32
        %dma_start3A_740 = arith.constant 1 : i32
        %dma_start3A_741 = arith.constant 160 : i32
        %dma_start3A_742 = arith.constant 0 : i32
        %dma_start3A_743 = tpu.memref_slice %arg6[%dma_start3A_739, %dma_start3A_741, %dma_start3A_742] : memref<2x800x64xf32, #tpu.memory_space<vmem>> -> memref<1x80x64xf32, #tpu.memory_space<vmem>>
        %dma_start3A_744 = tpu.memref_squeeze %dma_start3A_743 : memref<1x80x64xf32, #tpu.memory_space<vmem>> -> memref<80x64xf32, #tpu.memory_space<vmem>>
        %dma_start3A_745 = tpu.memref_slice %arg5[%add3A_738] : memref<25600xi32, #tpu.memory_space<vmem>> -> memref<80xi32, #tpu.memory_space<vmem>>
        %dma_start3A_746 = arith.constant 0 : i32
        %dma_start3A_747 = arith.constant 0 : i32
        %dma_start3A_748 = tpu.memref_slice %arg3[%dma_start3A_746, %dma_start3A_747] : memref<2000000x64xf32, #tpu.memory_space<hbm>> -> memref<2000000x64xf32, #tpu.memory_space<hbm>>
        %dma_start3A_749 = tpu.memref_slice %arg7[%dma_start3A_740] : memref<2x!tpu.dma_semaphore, #tpu.memory_space<semaphore_mem>> -> memref<1x!tpu.dma_semaphore, #tpu.memory_space<semaphore_mem>>
        %dma_start3A_750 = tpu.memref_squeeze %dma_start3A_749 : memref<1x!tpu.dma_semaphore, #tpu.memory_space<semaphore_mem>> -> memref<!tpu.dma_semaphore, #tpu.memory_space<semaphore_mem>>
        tpu.enqueue_indirect_dma source(%dma_start3A_748 : memref<2000000x64xf32, #tpu.memory_space<hbm>>) target(%dma_start3A_744 : memref<80x64xf32, #tpu.memory_space<vmem>>) offsets(%dma_start3A_745 : memref<80xi32, #tpu.memory_space<vmem>>) semaphore(%dma_start3A_750 : memref<!tpu.dma_semaphore, #tpu.memory_space<semaphore_mem>>)
        %mul3A_751 = arith.constant 800 : i32
        %mul3A_752 = arith.muli %add3A_702, %mul3A_751 : i32
        %add3A_753 = arith.constant 240 : i32
        %add3A_754 = arith.addi %mul3A_752, %add3A_753 : i32
        %dma_start3A_755 = arith.constant 1 : i32
        %dma_start3A_756 = arith.constant 1 : i32
        %dma_start3A_757 = arith.constant 240 : i32
        %dma_start3A_758 = arith.constant 0 : i32
        %dma_start3A_759 = tpu.memref_slice %arg6[%dma_start3A_755, %dma_start3A_757, %dma_start3A_758] : memref<2x800x64xf32, #tpu.memory_space<vmem>> -> memref<1x80x64xf32, #tpu.memory_space<vmem>>
        %dma_start3A_760 = tpu.memref_squeeze %dma_start3A_759 : memref<1x80x64xf32, #tpu.memory_space<vmem>> -> memref<80x64xf32, #tpu.memory_space<vmem>>
        %dma_start3A_761 = tpu.memref_slice %arg5[%add3A_754] : memref<25600xi32, #tpu.memory_space<vmem>> -> memref<80xi32, #tpu.memory_space<vmem>>
        %dma_start3A_762 = arith.constant 0 : i32
        %dma_start3A_763 = arith.constant 0 : i32
        %dma_start3A_764 = tpu.memref_slice %arg3[%dma_start3A_762, %dma_start3A_763] : memref<2000000x64xf32, #tpu.memory_space<hbm>> -> memref<2000000x64xf32, #tpu.memory_space<hbm>>
        %dma_start3A_765 = tpu.memref_slice %arg7[%dma_start3A_756] : memref<2x!tpu.dma_semaphore, #tpu.memory_space<semaphore_mem>> -> memref<1x!tpu.dma_semaphore, #tpu.memory_space<semaphore_mem>>
        %dma_start3A_766 = tpu.memref_squeeze %dma_start3A_765 : memref<1x!tpu.dma_semaphore, #tpu.memory_space<semaphore_mem>> -> memref<!tpu.dma_semaphore, #tpu.memory_space<semaphore_mem>>
        tpu.enqueue_indirect_dma source(%dma_start3A_764 : memref<2000000x64xf32, #tpu.memory_space<hbm>>) target(%dma_start3A_760 : memref<80x64xf32, #tpu.memory_space<vmem>>) offsets(%dma_start3A_761 : memref<80xi32, #tpu.memory_space<vmem>>) semaphore(%dma_start3A_766 : memref<!tpu.dma_semaphore, #tpu.memory_space<semaphore_mem>>)
        %mul3A_767 = arith.constant 800 : i32
        %mul3A_768 = arith.muli %add3A_702, %mul3A_767 : i32
        %add3A_769 = arith.constant 320 : i32
        %add3A_770 = arith.addi %mul3A_768, %add3A_769 : i32
        %dma_start3A_771 = arith.constant 1 : i32
        %dma_start3A_772 = arith.constant 1 : i32
        %dma_start3A_773 = arith.constant 320 : i32
        %dma_start3A_774 = arith.constant 0 : i32
        %dma_start3A_775 = tpu.memref_slice %arg6[%dma_start3A_771, %dma_start3A_773, %dma_start3A_774] : memref<2x800x64xf32, #tpu.memory_space<vmem>> -> memref<1x80x64xf32, #tpu.memory_space<vmem>>
        %dma_start3A_776 = tpu.memref_squeeze %dma_start3A_775 : memref<1x80x64xf32, #tpu.memory_space<vmem>> -> memref<80x64xf32, #tpu.memory_space<vmem>>
        %dma_start3A_777 = tpu.memref_slice %arg5[%add3A_770] : memref<25600xi32, #tpu.memory_space<vmem>> -> memref<80xi32, #tpu.memory_space<vmem>>
        %dma_start3A_778 = arith.constant 0 : i32
        %dma_start3A_779 = arith.constant 0 : i32
        %dma_start3A_780 = tpu.memref_slice %arg3[%dma_start3A_778, %dma_start3A_779] : memref<2000000x64xf32, #tpu.memory_space<hbm>> -> memref<2000000x64xf32, #tpu.memory_space<hbm>>
        %dma_start3A_781 = tpu.memref_slice %arg7[%dma_start3A_772] : memref<2x!tpu.dma_semaphore, #tpu.memory_space<semaphore_mem>> -> memref<1x!tpu.dma_semaphore, #tpu.memory_space<semaphore_mem>>
        %dma_start3A_782 = tpu.memref_squeeze %dma_start3A_781 : memref<1x!tpu.dma_semaphore, #tpu.memory_space<semaphore_mem>> -> memref<!tpu.dma_semaphore, #tpu.memory_space<semaphore_mem>>
        tpu.enqueue_indirect_dma source(%dma_start3A_780 : memref<2000000x64xf32, #tpu.memory_space<hbm>>) target(%dma_start3A_776 : memref<80x64xf32, #tpu.memory_space<vmem>>) offsets(%dma_start3A_777 : memref<80xi32, #tpu.memory_space<vmem>>) semaphore(%dma_start3A_782 : memref<!tpu.dma_semaphore, #tpu.memory_space<semaphore_mem>>)
        %mul3A_783 = arith.constant 800 : i32
        %mul3A_784 = arith.muli %add3A_702, %mul3A_783 : i32
        %add3A_785 = arith.constant 400 : i32
        %add3A_786 = arith.addi %mul3A_784, %add3A_785 : i32
        %dma_start3A_787 = arith.constant 1 : i32
        %dma_start3A_788 = arith.constant 1 : i32
        %dma_start3A_789 = arith.constant 400 : i32
        %dma_start3A_790 = arith.constant 0 : i32
        %dma_start3A_791 = tpu.memref_slice %arg6[%dma_start3A_787, %dma_start3A_789, %dma_start3A_790] : memref<2x800x64xf32, #tpu.memory_space<vmem>> -> memref<1x80x64xf32, #tpu.memory_space<vmem>>
        %dma_start3A_792 = tpu.memref_squeeze %dma_start3A_791 : memref<1x80x64xf32, #tpu.memory_space<vmem>> -> memref<80x64xf32, #tpu.memory_space<vmem>>
        %dma_start3A_793 = tpu.memref_slice %arg5[%add3A_786] : memref<25600xi32, #tpu.memory_space<vmem>> -> memref<80xi32, #tpu.memory_space<vmem>>
        %dma_start3A_794 = arith.constant 0 : i32
        %dma_start3A_795 = arith.constant 0 : i32
        %dma_start3A_796 = tpu.memref_slice %arg3[%dma_start3A_794, %dma_start3A_795] : memref<2000000x64xf32, #tpu.memory_space<hbm>> -> memref<2000000x64xf32, #tpu.memory_space<hbm>>
        %dma_start3A_797 = tpu.memref_slice %arg7[%dma_start3A_788] : memref<2x!tpu.dma_semaphore, #tpu.memory_space<semaphore_mem>> -> memref<1x!tpu.dma_semaphore, #tpu.memory_space<semaphore_mem>>
        %dma_start3A_798 = tpu.memref_squeeze %dma_start3A_797 : memref<1x!tpu.dma_semaphore, #tpu.memory_space<semaphore_mem>> -> memref<!tpu.dma_semaphore, #tpu.memory_space<semaphore_mem>>
        tpu.enqueue_indirect_dma source(%dma_start3A_796 : memref<2000000x64xf32, #tpu.memory_space<hbm>>) target(%dma_start3A_792 : memref<80x64xf32, #tpu.memory_space<vmem>>) offsets(%dma_start3A_793 : memref<80xi32, #tpu.memory_space<vmem>>) semaphore(%dma_start3A_798 : memref<!tpu.dma_semaphore, #tpu.memory_space<semaphore_mem>>)
        %mul3A_799 = arith.constant 800 : i32
        %mul3A_800 = arith.muli %add3A_702, %mul3A_799 : i32
        %add3A_801 = arith.constant 480 : i32
        %add3A_802 = arith.addi %mul3A_800, %add3A_801 : i32
        %dma_start3A_803 = arith.constant 1 : i32
        %dma_start3A_804 = arith.constant 1 : i32
        %dma_start3A_805 = arith.constant 480 : i32
        %dma_start3A_806 = arith.constant 0 : i32
        %dma_start3A_807 = tpu.memref_slice %arg6[%dma_start3A_803, %dma_start3A_805, %dma_start3A_806] : memref<2x800x64xf32, #tpu.memory_space<vmem>> -> memref<1x80x64xf32, #tpu.memory_space<vmem>>
        %dma_start3A_808 = tpu.memref_squeeze %dma_start3A_807 : memref<1x80x64xf32, #tpu.memory_space<vmem>> -> memref<80x64xf32, #tpu.memory_space<vmem>>
        %dma_start3A_809 = tpu.memref_slice %arg5[%add3A_802] : memref<25600xi32, #tpu.memory_space<vmem>> -> memref<80xi32, #tpu.memory_space<vmem>>
        %dma_start3A_810 = arith.constant 0 : i32
        %dma_start3A_811 = arith.constant 0 : i32
        %dma_start3A_812 = tpu.memref_slice %arg3[%dma_start3A_810, %dma_start3A_811] : memref<2000000x64xf32, #tpu.memory_space<hbm>> -> memref<2000000x64xf32, #tpu.memory_space<hbm>>
        %dma_start3A_813 = tpu.memref_slice %arg7[%dma_start3A_804] : memref<2x!tpu.dma_semaphore, #tpu.memory_space<semaphore_mem>> -> memref<1x!tpu.dma_semaphore, #tpu.memory_space<semaphore_mem>>
        %dma_start3A_814 = tpu.memref_squeeze %dma_start3A_813 : memref<1x!tpu.dma_semaphore, #tpu.memory_space<semaphore_mem>> -> memref<!tpu.dma_semaphore, #tpu.memory_space<semaphore_mem>>
        tpu.enqueue_indirect_dma source(%dma_start3A_812 : memref<2000000x64xf32, #tpu.memory_space<hbm>>) target(%dma_start3A_808 : memref<80x64xf32, #tpu.memory_space<vmem>>) offsets(%dma_start3A_809 : memref<80xi32, #tpu.memory_space<vmem>>) semaphore(%dma_start3A_814 : memref<!tpu.dma_semaphore, #tpu.memory_space<semaphore_mem>>)
        %mul3A_815 = arith.constant 800 : i32
        %mul3A_816 = arith.muli %add3A_702, %mul3A_815 : i32
        %add3A_817 = arith.constant 560 : i32
        %add3A_818 = arith.addi %mul3A_816, %add3A_817 : i32
        %dma_start3A_819 = arith.constant 1 : i32
        %dma_start3A_820 = arith.constant 1 : i32
        %dma_start3A_821 = arith.constant 560 : i32
        %dma_start3A_822 = arith.constant 0 : i32
        %dma_start3A_823 = tpu.memref_slice %arg6[%dma_start3A_819, %dma_start3A_821, %dma_start3A_822] : memref<2x800x64xf32, #tpu.memory_space<vmem>> -> memref<1x80x64xf32, #tpu.memory_space<vmem>>
        %dma_start3A_824 = tpu.memref_squeeze %dma_start3A_823 : memref<1x80x64xf32, #tpu.memory_space<vmem>> -> memref<80x64xf32, #tpu.memory_space<vmem>>
        %dma_start3A_825 = tpu.memref_slice %arg5[%add3A_818] : memref<25600xi32, #tpu.memory_space<vmem>> -> memref<80xi32, #tpu.memory_space<vmem>>
        %dma_start3A_826 = arith.constant 0 : i32
        %dma_start3A_827 = arith.constant 0 : i32
        %dma_start3A_828 = tpu.memref_slice %arg3[%dma_start3A_826, %dma_start3A_827] : memref<2000000x64xf32, #tpu.memory_space<hbm>> -> memref<2000000x64xf32, #tpu.memory_space<hbm>>
        %dma_start3A_829 = tpu.memref_slice %arg7[%dma_start3A_820] : memref<2x!tpu.dma_semaphore, #tpu.memory_space<semaphore_mem>> -> memref<1x!tpu.dma_semaphore, #tpu.memory_space<semaphore_mem>>
        %dma_start3A_830 = tpu.memref_squeeze %dma_start3A_829 : memref<1x!tpu.dma_semaphore, #tpu.memory_space<semaphore_mem>> -> memref<!tpu.dma_semaphore, #tpu.memory_space<semaphore_mem>>
        tpu.enqueue_indirect_dma source(%dma_start3A_828 : memref<2000000x64xf32, #tpu.memory_space<hbm>>) target(%dma_start3A_824 : memref<80x64xf32, #tpu.memory_space<vmem>>) offsets(%dma_start3A_825 : memref<80xi32, #tpu.memory_space<vmem>>) semaphore(%dma_start3A_830 : memref<!tpu.dma_semaphore, #tpu.memory_space<semaphore_mem>>)
        %mul3A_831 = arith.constant 800 : i32
        %mul3A_832 = arith.muli %add3A_702, %mul3A_831 : i32
        %add3A_833 = arith.constant 640 : i32
        %add3A_834 = arith.addi %mul3A_832, %add3A_833 : i32
        %dma_start3A_835 = arith.constant 1 : i32
        %dma_start3A_836 = arith.constant 1 : i32
        %dma_start3A_837 = arith.constant 640 : i32
        %dma_start3A_838 = arith.constant 0 : i32
        %dma_start3A_839 = tpu.memref_slice %arg6[%dma_start3A_835, %dma_start3A_837, %dma_start3A_838] : memref<2x800x64xf32, #tpu.memory_space<vmem>> -> memref<1x80x64xf32, #tpu.memory_space<vmem>>
        %dma_start3A_840 = tpu.memref_squeeze %dma_start3A_839 : memref<1x80x64xf32, #tpu.memory_space<vmem>> -> memref<80x64xf32, #tpu.memory_space<vmem>>
        %dma_start3A_841 = tpu.memref_slice %arg5[%add3A_834] : memref<25600xi32, #tpu.memory_space<vmem>> -> memref<80xi32, #tpu.memory_space<vmem>>
        %dma_start3A_842 = arith.constant 0 : i32
        %dma_start3A_843 = arith.constant 0 : i32
        %dma_start3A_844 = tpu.memref_slice %arg3[%dma_start3A_842, %dma_start3A_843] : memref<2000000x64xf32, #tpu.memory_space<hbm>> -> memref<2000000x64xf32, #tpu.memory_space<hbm>>
        %dma_start3A_845 = tpu.memref_slice %arg7[%dma_start3A_836] : memref<2x!tpu.dma_semaphore, #tpu.memory_space<semaphore_mem>> -> memref<1x!tpu.dma_semaphore, #tpu.memory_space<semaphore_mem>>
        %dma_start3A_846 = tpu.memref_squeeze %dma_start3A_845 : memref<1x!tpu.dma_semaphore, #tpu.memory_space<semaphore_mem>> -> memref<!tpu.dma_semaphore, #tpu.memory_space<semaphore_mem>>
        tpu.enqueue_indirect_dma source(%dma_start3A_844 : memref<2000000x64xf32, #tpu.memory_space<hbm>>) target(%dma_start3A_840 : memref<80x64xf32, #tpu.memory_space<vmem>>) offsets(%dma_start3A_841 : memref<80xi32, #tpu.memory_space<vmem>>) semaphore(%dma_start3A_846 : memref<!tpu.dma_semaphore, #tpu.memory_space<semaphore_mem>>)
        %mul3A_847 = arith.constant 800 : i32
        %mul3A_848 = arith.muli %add3A_702, %mul3A_847 : i32
        %add3A_849 = arith.constant 720 : i32
        %add3A_850 = arith.addi %mul3A_848, %add3A_849 : i32
        %dma_start3A_851 = arith.constant 1 : i32
        %dma_start3A_852 = arith.constant 1 : i32
        %dma_start3A_853 = arith.constant 720 : i32
        %dma_start3A_854 = arith.constant 0 : i32
        %dma_start3A_855 = tpu.memref_slice %arg6[%dma_start3A_851, %dma_start3A_853, %dma_start3A_854] : memref<2x800x64xf32, #tpu.memory_space<vmem>> -> memref<1x80x64xf32, #tpu.memory_space<vmem>>
        %dma_start3A_856 = tpu.memref_squeeze %dma_start3A_855 : memref<1x80x64xf32, #tpu.memory_space<vmem>> -> memref<80x64xf32, #tpu.memory_space<vmem>>
        %dma_start3A_857 = tpu.memref_slice %arg5[%add3A_850] : memref<25600xi32, #tpu.memory_space<vmem>> -> memref<80xi32, #tpu.memory_space<vmem>>
        %dma_start3A_858 = arith.constant 0 : i32
        %dma_start3A_859 = arith.constant 0 : i32
        %dma_start3A_860 = tpu.memref_slice %arg3[%dma_start3A_858, %dma_start3A_859] : memref<2000000x64xf32, #tpu.memory_space<hbm>> -> memref<2000000x64xf32, #tpu.memory_space<hbm>>
        %dma_start3A_861 = tpu.memref_slice %arg7[%dma_start3A_852] : memref<2x!tpu.dma_semaphore, #tpu.memory_space<semaphore_mem>> -> memref<1x!tpu.dma_semaphore, #tpu.memory_space<semaphore_mem>>
        %dma_start3A_862 = tpu.memref_squeeze %dma_start3A_861 : memref<1x!tpu.dma_semaphore, #tpu.memory_space<semaphore_mem>> -> memref<!tpu.dma_semaphore, #tpu.memory_space<semaphore_mem>>
        tpu.enqueue_indirect_dma source(%dma_start3A_860 : memref<2000000x64xf32, #tpu.memory_space<hbm>>) target(%dma_start3A_856 : memref<80x64xf32, #tpu.memory_space<vmem>>) offsets(%dma_start3A_857 : memref<80xi32, #tpu.memory_space<vmem>>) semaphore(%dma_start3A_862 : memref<!tpu.dma_semaphore, #tpu.memory_space<semaphore_mem>>)
      } else {
      }
    }
    %scan3A_272 = arith.constant 16 : i32
    %add3A_273 = arith.constant 24000 : i32
    %add3A_274 = arith.addi %mul3A_2, %add3A_273 : i32
    %dma_wait3A = arith.constant 0 : i32
    %dma_wait3A_275 = arith.constant 0 : i32
    %dma_wait3A_276 = arith.constant 0 : i32
    %dma_wait3A_277 = arith.constant 0 : i32
    %dma_wait3A_278 = tpu.memref_slice %arg6[%dma_wait3A, %dma_wait3A_276, %dma_wait3A_277] : memref<2x800x64xf32, #tpu.memory_space<vmem>> -> memref<1x800x64xf32, #tpu.memory_space<vmem>>
    %dma_wait3A_279 = tpu.memref_squeeze %dma_wait3A_278 : memref<1x800x64xf32, #tpu.memory_space<vmem>> -> memref<800x64xf32, #tpu.memory_space<vmem>>
    %dma_wait3A_280 = arith.constant 0 : i32
    %dma_wait3A_281 = tpu.memref_slice %arg4[%add3A_274, %dma_wait3A_280] : memref<819200x128xf32, #tpu.memory_space<hbm>> -> memref<800x64xf32, #tpu.memory_space<hbm>>
    %dma_wait3A_282 = tpu.memref_slice %arg8[%dma_wait3A_275] : memref<2x!tpu.dma_semaphore, #tpu.memory_space<semaphore_mem>> -> memref<1x!tpu.dma_semaphore, #tpu.memory_space<semaphore_mem>>
    %dma_wait3A_283 = tpu.memref_squeeze %dma_wait3A_282 : memref<1x!tpu.dma_semaphore, #tpu.memory_space<semaphore_mem>> -> memref<!tpu.dma_semaphore, #tpu.memory_space<semaphore_mem>>
    %dma_wait3A_284 = arith.constant 0 : i32
    %dma_wait3A_285 = tpu.memref_slice %arg4[%add3A_274, %dma_wait3A_284] : memref<819200x128xf32, #tpu.memory_space<hbm>> -> memref<800x64xf32, #tpu.memory_space<hbm>>
    %dma_wait3A_286 = arith.constant 0 : i32
    %dma_wait3A_287 = arith.constant 0 : i32
    %dma_wait3A_288 = tpu.memref_slice %arg6[%dma_wait3A, %dma_wait3A_286, %dma_wait3A_287] : memref<2x800x64xf32, #tpu.memory_space<vmem>> -> memref<1x800x64xf32, #tpu.memory_space<vmem>>
    %dma_wait3A_289 = tpu.memref_squeeze %dma_wait3A_288 : memref<1x800x64xf32, #tpu.memory_space<vmem>> -> memref<800x64xf32, #tpu.memory_space<vmem>>
    tpu.wait_dma2 semaphore(%dma_wait3A_283 : memref<!tpu.dma_semaphore, #tpu.memory_space<semaphore_mem>>) src(%dma_wait3A_289 : memref<800x64xf32, #tpu.memory_space<vmem>>) dst(%dma_wait3A_285 : memref<800x64xf32, #tpu.memory_space<hbm>>)
    %add3A_290 = arith.constant 24800 : i32
    %add3A_291 = arith.addi %mul3A_2, %add3A_290 : i32
    %dma_wait3A_292 = arith.constant 1 : i32
    %dma_wait3A_293 = arith.constant 1 : i32
    %dma_wait3A_294 = arith.constant 0 : i32
    %dma_wait3A_295 = arith.constant 0 : i32
    %dma_wait3A_296 = tpu.memref_slice %arg6[%dma_wait3A_292, %dma_wait3A_294, %dma_wait3A_295] : memref<2x800x64xf32, #tpu.memory_space<vmem>> -> memref<1x800x64xf32, #tpu.memory_space<vmem>>
    %dma_wait3A_297 = tpu.memref_squeeze %dma_wait3A_296 : memref<1x800x64xf32, #tpu.memory_space<vmem>> -> memref<800x64xf32, #tpu.memory_space<vmem>>
    %dma_wait3A_298 = arith.constant 0 : i32
    %dma_wait3A_299 = tpu.memref_slice %arg4[%add3A_291, %dma_wait3A_298] : memref<819200x128xf32, #tpu.memory_space<hbm>> -> memref<800x64xf32, #tpu.memory_space<hbm>>
    %dma_wait3A_300 = tpu.memref_slice %arg8[%dma_wait3A_293] : memref<2x!tpu.dma_semaphore, #tpu.memory_space<semaphore_mem>> -> memref<1x!tpu.dma_semaphore, #tpu.memory_space<semaphore_mem>>
    %dma_wait3A_301 = tpu.memref_squeeze %dma_wait3A_300 : memref<1x!tpu.dma_semaphore, #tpu.memory_space<semaphore_mem>> -> memref<!tpu.dma_semaphore, #tpu.memory_space<semaphore_mem>>
    %dma_wait3A_302 = arith.constant 0 : i32
    %dma_wait3A_303 = tpu.memref_slice %arg4[%add3A_291, %dma_wait3A_302] : memref<819200x128xf32, #tpu.memory_space<hbm>> -> memref<800x64xf32, #tpu.memory_space<hbm>>
    %dma_wait3A_304 = arith.constant 0 : i32
    %dma_wait3A_305 = arith.constant 0 : i32
    %dma_wait3A_306 = tpu.memref_slice %arg6[%dma_wait3A_292, %dma_wait3A_304, %dma_wait3A_305] : memref<2x800x64xf32, #tpu.memory_space<vmem>> -> memref<1x800x64xf32, #tpu.memory_space<vmem>>
    %dma_wait3A_307 = tpu.memref_squeeze %dma_wait3A_306 : memref<1x800x64xf32, #tpu.memory_space<vmem>> -> memref<800x64xf32, #tpu.memory_space<vmem>>
    tpu.wait_dma2 semaphore(%dma_wait3A_301 : memref<!tpu.dma_semaphore, #tpu.memory_space<semaphore_mem>>) src(%dma_wait3A_307 : memref<800x64xf32, #tpu.memory_space<vmem>>) dst(%dma_wait3A_303 : memref<800x64xf32, #tpu.memory_space<hbm>>)
    return
  }
}

</mosaic_0001>

<sc_bundles>
// kernel: kernel.3.cloned.1.call-start
scs
__scs_entry_jumppad:
0x0: {  	(pc) =	sbr.rel $0x88, $3  }
0x1: {  	(tag) =	ssettag $0x0;
	lr =	simm.s32 $0x1  }
0x2: {  	[smem:$0x3F9F] =	sst lr;
	_ =	strace $0xD0000000  }
0x3: {  	_ = 	snop  }
0x4: {  	_ = 	snop  }
0x5: {  	_ = 	snop  }
0x6: {  	_ = 	snop  }
0x7: {  	_ = 	snop  }
__scs_overlays_trampoline_lowered:
0x8: {  	[smem:$0x3FAE] =	sst s0  }
0x9: {  	[smem:$0x3FAF] =	sst s1  }
0xa: {  	[smem:$0x3FB0] =	sst s2  }
0xb: {  	[smem:$0x3FB1] =	sst s3  }
0xc: {  	[smem:$0x3FB2] =	sst s4  }
0xd: {  	[smem:$0x3FB3] =	sst s5  }
0xe: {  	[smem:$0x3FB4] =	sst s6  }
0xf: {  	[smem:$0x3FB5] =	sst s7  }
0x10: {  	[smem:$0x3FB6] =	sst s8  }
0x11: {  	[smem:$0x3FB7] =	sst s9;
	s0 =	simm.s32 @!p0 $0x0  }
0x12: {  	s1 =	sld [smem:$0x3F9D];
	s0 =	simm.s32 @p0 $0x1  }
0x13: {  	[smem:$0x3FB8] =	sst s0;
	s0 =	simm.s32 @!p1 $0x0  }
0x14: {  	s2 =	sld [smem:$0x3F9C];
	s0 =	simm.s32 @p1 $0x1  }
0x15: {  	[smem:$0x3FB9] =	sst s0;
	s0 =	simm.s32 @!p2 $0x0  }
0x16: {  	s3 =	sld [smem:$0x3FDB];
	s0 =	simm.s32 @p2 $0x1  }
0x17: {  	s4 =	simm.s32 $0x1BF5;
	[smem:$0x3FBB] =	sst s0  }
0x18: {  	s0 =	sld [smem:$0x3F9E];
	_ =	swait.ge [sflag:s4], $0x0  }
0x19: {  	s7 =	sld [smem:$0x3F9F]  }
0x1a: {  	s8 =	sadd.s32 $0xFFFFE003, lr  }
0x1b: {  	s9 =	sadd.s32 $0xFFFFFEF7, lr;
	s5 =	simm.s32 $0xFFFFFFFF;
	p2 =	slt.u32 s8, $0xFFFFF086  }
0x1c: {  	p1 =	slt.u32 s9, $0xF7A;
	s5 =	simm.s32 @!p2 $0x0  }
0x1d: {  	s5 =	simm.s32 @p1 $0x1;
	p0 =	seq.s32 s7, s2  }
0x1e: {  	s7 =	smul.u32 @!p0 $0xF7A, s2;
	p2 =	seq.s32 @!p0 s5, $0x0  }
0x1f: {  	s9 =	smul.u32 $0xF7A, s1;
	s8 =	simm.s32 @!p0 $0x1BF5;
	p2 =	por !p2, p0  }
0x20: {  	[sflag:s8] =	ssyncset.s32 @!p0 $0xFFFFF086;
	s6 =	sadd.s32 @!p0 s3, s7;
	s7 =	simm.s32 @!p0 $0x108  }
0x21: {  	s3 =	sadd.s32 s3, s9;
	s6 =	sadd.s32 @!p0 $0x88, s6;
	s7 =	simm.s32 @p2 $0x1082  }
0x22: {  	[simem:s7], [sflag:s8] =	dma.local @!p0 [hbm:s6], $0xF7A  }
0x23: {  	s9 =	sor.u32 $0xD0000000, s2;
	s6 =	simm.s32 $0x108;
	_ =	swait.ge @!p0 [sflag:s8], $0x0  }
0x24: {  	s3 =	sadd.s32 $0x88, s3;
	s6 =	simm.s32 @!p1 $0x1082;
	[sflag:s4] =	ssyncset.s32 $0xFFFFF086  }
0x25: {  	[simem:s6], [sflag:s4] =	dma.local [hbm:s3], $0xF7A  }
0x26: {  	[smem:$0x3F9F] =	sst s1;
	(tag) =	ssettag s2;
	_ =	strace s9  }
0x27: {  	s1 =	sld [smem:$0x3FAF]  }
0x28: {  	s2 =	sld [smem:$0x3FB0]  }
0x29: {  	s4 =	sld [smem:$0x3FB2]  }
0x2a: {  	p0 =	seq.s32 s5, $0x0;
	s5 =	sld [smem:$0x3FB3]  }
0x2b: {  	s6 =	sld [smem:$0x3FB4]  }
0x2c: {  	s7 =	sld [smem:$0x3FB5]  }
0x2d: {  	s3 =	simm.s32 $0x108;
	s8 =	sld [smem:$0x3FB6]  }
0x2e: {  	s3 =	simm.s32 @!p0 $0x1082;
	s9 =	sld [smem:$0x3FB7]  }
0x2f: {  	lr =	sadd.s32 s0, s3;
	s0 =	sld [smem:$0x3FAE]  }
0x30: {  	s3 =	sld [smem:$0x3FB1]  }
0x31: {  	[smem:$0x3FBA] =	sst s10  }
0x32: {  	s10 =	sld [smem:$0x3FB8];
	_ =	sdelay $0x3  }
0x33: {  	p0 =	seq.s32 s10, $0x1;
	s10 =	sld [smem:$0x3FBA];
	_ =	sdelay $0x3  }
0x34: {  	[smem:$0x3FBA] =	sst s10  }
0x35: {  	s10 =	sld [smem:$0x3FB9];
	_ =	sdelay $0x3  }
0x36: {  	p1 =	seq.s32 s10, $0x1;
	s10 =	sld [smem:$0x3FBA];
	_ =	sdelay $0x3  }
0x37: {  	[smem:$0x3FBA] =	sst s10  }
0x38: {  	s10 =	sld [smem:$0x3FBB]  }
0x39: {  	_ = 	snop;
	(pc) =	sbr.ind lr, $3  }
0x3a: {  	_ = 	snop  }
0x3b: {  	_ = 	snop  }
0x3c: {  	p2 =	seq.s32 s10, $0x1;
	s10 =	sld [smem:$0x3FBA]  }
0x3d: {  	_ =	shalt  }
0x3e: {  	_ =	shalt  }
0x3f: {  	_ =	shalt  }
0x40: {  	_ =	shalt  }
0x41: {  	_ =	shalt  }
0x42: {  	_ =	shalt  }
0x43: {  	_ =	shalt  }
0x44: {  	_ =	shalt  }
0x45: {  	_ =	shalt  }
0x46: {  	_ =	shalt  }
0x47: {  	_ =	shalt  }
0x48: {  	_ =	shalt  }
0x49: {  	_ =	shalt  }
0x4a: {  	_ =	shalt  }
0x4b: {  	_ =	shalt  }
0x4c: {  	_ =	shalt  }
0x4d: {  	_ =	shalt  }
0x4e: {  	_ =	shalt  }
0x4f: {  	_ =	shalt  }
0x50: {  	_ =	shalt  }
0x51: {  	_ =	shalt  }
0x52: {  	_ =	shalt  }
0x53: {  	_ =	shalt  }
0x54: {  	_ =	shalt  }
0x55: {  	_ =	shalt  }
0x56: {  	_ =	shalt  }
0x57: {  	_ =	shalt  }
0x58: {  	_ =	shalt  }
0x59: {  	_ =	shalt  }
0x5a: {  	_ =	shalt  }
0x5b: {  	_ =	shalt  }
0x5c: {  	_ =	shalt  }
0x5d: {  	_ =	shalt  }
0x5e: {  	_ =	shalt  }
0x5f: {  	_ =	shalt  }
0x60: {  	_ =	shalt  }
0x61: {  	_ =	shalt  }
0x62: {  	_ =	shalt  }
0x63: {  	_ =	shalt  }
0x64: {  	_ =	shalt  }
0x65: {  	_ =	shalt  }
0x66: {  	_ =	shalt  }
0x67: {  	_ =	shalt  }
0x68: {  	_ =	shalt  }
0x69: {  	_ =	shalt  }
0x6a: {  	_ =	shalt  }
0x6b: {  	_ =	shalt  }
0x6c: {  	_ =	shalt  }
0x6d: {  	_ =	shalt  }
0x6e: {  	_ =	shalt  }
0x6f: {  	_ =	shalt  }
0x70: {  	_ =	shalt  }
0x71: {  	_ =	shalt  }
0x72: {  	_ =	shalt  }
0x73: {  	_ =	shalt  }
0x74: {  	_ =	shalt  }
0x75: {  	_ =	shalt  }
0x76: {  	_ =	shalt  }
0x77: {  	_ =	shalt  }
0x78: {  	_ =	shalt  }
0x79: {  	_ =	shalt  }
0x7a: {  	_ =	shalt  }
0x7b: {  	_ =	shalt  }
0x7c: {  	_ =	shalt  }
0x7d: {  	_ =	shalt  }
0x7e: {  	_ =	shalt  }
0x7f: {  	_ =	shalt  }
0x80: {  	_ =	shalt  }
0x81: {  	_ =	shalt  }
0x82: {  	_ =	shalt  }
0x83: {  	_ =	shalt  }
0x84: {  	_ =	shalt  }
0x85: {  	_ =	shalt  }
0x86: {  	_ =	shalt  }
0x87: {  	_ =	shalt  }
.Lfunc_end0:
.L_simem_size_0:
called_computation.2_lowered:
.L_overlay_start_0:
0x88: {  	s2 =	sld [smem:$0x3FD9]  }
0x89: {  	s3 =	sld [smem:$0x3FFE];
	_ =	sdelay $0x1  }
0x8a: {  	s1 =	srdreg.scid  }
0x8b: {  	s0 =	sand.u32 $0x1, s1  }
0x8c: {  	s17 =	sshll.u32 s0, $0xA;
	s2 =	sadd.s32 s3, s2  }
0x8d: {  	s2 =	sadd.s32 s2, s17  }
0x8e: {  	[smem:$0x3FC6] =	sst s2  }
0x8f: {  	_ = 	snop  }
0x90: {  	s2 =	sld [smem:$0x3FD0];
	(tm) =	ssettm $0x1  }
0x91: {  	s18 =	sld [smem:$0x3FFB];
	_ =	sdelay $0x3  }
0x92: {  	_ =	strace s18  }
0x93: {  	s3 =	sld [smem:$0x3FFC];
	_ =	sdelay $0x3  }
0x94: {  	_ =	strace s3  }
0x95: {  	s3 =	sld [smem:$0x3FFD];
	_ =	sdelay $0x3  }
0x96: {  	_ =	strace s3  }
0x97: {  	_ =	strace $0x8FFFFFFF  }
0x98: {  	s19 =	sld [smem:$0x3FDB];
	_ =	sdelay $0x1  }
0x99: {  	s4 =	simm.s32 $_scs_section_size  }
0x9a: {  	s5 =	simm.s32 $_size__tile_overlayer_lowered;
	s6 =	simm.s32 $_tile_overlayer_lowered  }
0x9b: {  	s22 =	simm.s32 $0x1BFF;
	s21 =	sshll.u32 s6, $0x1;
	s3 =	sadd.s32 s4, s19  }
0x9c: {  	s7 =	simm.s32 $0x0;
	s20 =	sshll.u32 s5, $0x1;
	s5 =	sadd.s32 s21, s3  }
0x9d: {  	[timem:s7], [sflag:s22] =	dma.local [hbm:s5], s20  }
0x9e: {  	_ =	swait.ge [sflag:s22], s20  }
0x9f: {  	s4 =	ssub.s32 $0x0, s20;
	[sflag:s22] =	ssyncset.done $0x0  }
0xa0: {  	[sflag:s22] =	ssyncadd.s32 s4;
	_ =	sdelay $0x1  }
0xa1: {  	s23 =	simm.s32 $0x1B8B  }
0xa2: {  	_ =	swait.ge [sflag:s23], $0x1  }
0xa3: {  	[sflag:s23] =	ssyncset.done $0x0  }
0xa4: {  	s25 =	simm.s32 $0x1B8E;
	s24 =	sld [smem:$0x3FFE];
	[sflag:s23] =	ssyncadd.s32 $0xFFFFFFFF  }
0xa5: {  	s26 =	simm.s32 $execute0_lowered;
	[smem:$0x3FD2] =	sst s25  }
0xa6: {  	s5 =	sshll.u32 s26, $0x1;
	_ =	strace $0x80000049;
	[dreg:$0x1] =	wrdreg $0xFFFFFFFF  }
0xa7: {  	s28 =	simm.s32 $_size_execute0_lowered;
	s3 =	sadd.s32 s3, s5;
	[dreg:$0x0] =	wrdreg $0x0  }
0xa8: {  	s5 =	sshll.u32 s28, $0x1;
	[dreg:$0x2] =	wrdreg s3  }
0xa9: {  	[dreg:$0x3] =	wrdreg s5  }
0xaa: {  	[dreg:$0x4] =	wrdreg $0xC0  }
0xab: {  	_ =	task [dreg:s7], $0x5FFFF  }
0xac: {  	[dreg:$0x1] =	wrdreg $0xFFFFFFFF  }
0xad: {  	[dreg:$0x0] =	wrdreg $0x60  }
0xae: {  	[dreg:$0x2] =	wrdreg s2  }
0xaf: {  	[dreg:$0x3] =	wrdreg s24  }
0xb0: {  	[dreg:$0x4] =	wrdreg $0x9  }
0xb1: {  	_ =	task.clear_ibuf [dreg:s7], $0x5FFFF;
	_ =	strace $0x90000049  }
0xb2: {  	s29 =	simm.s32 $0x9;
	_ =	strace $0x8000004B  }
0xb3: {  	_ =	swait.ge [sflag:s29], $0x1  }
0xb4: {  	[sflag:s29] =	ssyncadd.s32 $0xFFFFFFFF  }
0xb5: {  	_ =	strace $0x9000004B  }
0xb6: {  	_ =	sfence  }
0xb7: {  	s30 =	sld [smem:$0x0];
	_ =	sdelay $0x2  }
0xb8: {  	s31 =	sshll.u32 s1, $0xD;
	s1 =	sshrl.u32 s1, $0x2  }
0xb9: {  	s3 =	sand.u32 $0x4000, s31;
	s1 =	sadd.s32 s1, s30  }
0xba: {  	s0 =	sor.u32 s3, s0;
	s1 =	sshll.u32 s1, $0x11  }
0xbb: {  	s0 =	sor.u32 s1, s0  }
0xbc: {  	s0 =	sadd.s32 $0x8F2B, s0  }
0xbd: {  	[sflag:s0] =	ssyncadd.remote.s32 $0x1  }
0xbe: {  	_ =	sfence.sel $0xFFFF  }
0xbf: {  	[dreg:$0x0] =	wrdreg $0xFFFFFFFF;
	(pc) =	sbr.abs _section_cstart, $3  }
0xc0: {  	[dreg:$0x1] =	wrdreg $0xFFFFFFFF  }
0xc1: {  	_ =	task.clear_ibuf [dreg:s7], $0x2FFFF;
	_ =	strace $0x9FFFFFFF  }
0xc2: {  	(tm) =	ssettm $0x7FFFFFFF  }
0xc3: {  	_ =	shalt  }
tec
execute0_lowered:
.L_overlay_start_1:
0x0: {  	(tag) =	ssettag $0x1  }
0x1: {  	s0 =	rddreg [dreg:$0x0]  }
0x2: {  	s1 =	rddreg [dreg:$0x1];
	s2 =	simm.s32 $0x0  }
0x3: {  	s23 =	srdreg.scid;
	s9 =	stileid.u32;
	s10 =	simm.s32 $0x6400  }
0x4: {  	s30 =	simm.s32 $0x12C00;
	s12 =	simm.s32 $0x16800;
	s14 =	simm.s32 $0x17C00  }
0x5: {  	s16 =	simm.s32 $0x19000;
	s18 =	simm.s32 $0x1A400;
	s20 =	simm.s32 $0x1B800  }
0x6: {  	s22 =	simm.s32 $0x1CC00;
	s28 =	simm.s32 $0x80;
	s29 =	simm.s32 $0x2  }
0x7: {  	s31 =	simm.s32 $0x3;
	s11 =	simm.s32 $0x0;
	[smem:$0x7FF] =	sst s2  }
0x8: {  	s2 =	sand.u32 $0x1, s23;
	s3 =	sshll.u32 s9, $0x1;
	s4 =	smul.u32 $0xC800, s9  }
0x9: {  	s24 =	smul.u32 $0xC8000, s9;
	s9 =	simm.s32 $0x50;
	_ =	strace $0x8000004A  }
0xa: {  	s5 =	ssub.s32 $0x2, s2;
	s6 =	sor.u32 s2, s3;
	s7 =	smul.u32 $0x6400, s2  }
0xb: {  	s3 =	sadd.s32 $0xF43200, s1;
	s1 =	sadd.s32 $0xE00, s1;
	s2 =	smul.u32 $0x64000, s2  }
0xc: {  	s8 =	sshrl.u32 s5, $0x1;
	s6 =	smul.u32 $0x6400, s6;
	s26 =	sadd.s32 s24, s1  }
0xd: {  	s24 =	simm.s32 $0x1E000;
	s5 =	ssub.s32 s5, s8;
	s4 =	sadd.s32 s7, s4  }
.Ltmp0:
0xe: {  	s15 =	sadd.s32 s2, s26;
	s8 =	simm.s32 $0x5;
	(pc) =	sbr.rel .LBB2_1-.Ltmp0, $4  }
0xf: {  	s2 =	simm.s32 $0x15400;
	s26 =	simm.s32 $0x40;
	s6 =	sshrl.u32 s6, $0x3  }
0x10: {  	s7 =	sshll.u32 s4, $0x4;
	s5 =	smax.u32 s5, $0x1;
	s0 =	sadd.s32 s0, s6  }
0x11: {  	s25 =	sadd.s32 s7, s1;
	s1 =	simm.s32 $0x4;
	[dreg:$0x3] =	wrdreg s0  }
0x12: {  	s17 =	sadd.s32 $0x3200, s25;
	s0 =	simm.s32 $0x14000;
	s25 =	simm.s32 $0x1  }
.LBB2_6:
0x13: {  	s11 =	sadd.s32 $0x1, s11  }
0x14: {  	_ =	swait.ge [sflag:s31], $0xC800;
	p0 =	sne.s32 s11, s5  }
.Ltmp1:
0x15: {  	[sflag:s31] =	ssyncset.done $0x0;
	(pc) =	sbr.rel @!p0 .LBB2_7-.Ltmp1, $4  }
0x16: {  	[sflag:s31] =	ssyncadd.s32 $0xFFFF3800  }
0x17: {  	_ =	swait.ge [sflag:s1], $0xC800  }
0x18: {  	[sflag:s1] =	ssyncset.done $0x0  }
0x19: {  	[sflag:s1] =	ssyncadd.s32 $0xFFFF3800  }
.LBB2_1:
0x1a: {  	s4 =	simm.s32 $0x0;
	s6 =	rddreg [dreg:$0x3]  }
0x1b: {  	[tilespmem:s4], [sflag:$0x5] =	stream.linear.gather [hbm4b:s6+s4], $0x6400, $0x38;
	[tilespmem:$0x1F400] =	vst v63  }
0x1c: {  	_ =	swait.ge [sflag:s8], $0x6400  }
0x1d: {  	[sflag:s8] =	ssyncset.done $0x0  }
0x1e: {  	[sflag:s8] =	ssyncadd.s32 $0xFFFF9C00  }
0x1f: {  	v2 =	vld [tilespmem:s26+$0xFFFFFFC0]  }
0x20: {  	v3 =	vld [tilespmem:s26+$0xFFFFFFD0]  }
0x21: {  	v4 =	vld [tilespmem:s26+$0xFFFFFFE0]  }
0x22: {  	v1 =	vld [tilespmem:s26+$0x0]  }
0x23: {  	v0 =	vld [tilespmem:s26+$0x10]  }
0x24: {  	v5 =	vshll.u32 v2, $0x1;
	v2 =	vld [tilespmem:s26+$0x20]  }
0x25: {  	[tilespmem:s26+$0xFFFFFFC0] =	vst v5;
	v5 =	vshll.u32 v3, $0x1;
	v3 =	vld [tilespmem:s26+$0x30]  }
0x26: {  	s7 =	simm.s32 $0x0;
	s13 =	simm.s32 $0xC0;
	s6 =	simm.s32 $0x40;
	[tilespmem:s26+$0xFFFFFFD0] =	vst v5;
	v5 =	vshll.u32 v4, $0x1;
	v4 =	vld [tilespmem:s26+$0xFFFFFFF0]  }
.LBB2_2:
0x27: {  	v6 =	vld [tilespmem:s13+$0xFFFFFFC0];
	[tilespmem:s6+$0xFFFFFFE0] =	vst v5;
	v1 =	vshll.u32 v1, $0x1  }
0x28: {  	s7 =	sadd.s32 $0x8, s7;
	v5 =	vld [tilespmem:s13+$0xFFFFFFD0];
	[tilespmem:s6+$0x0] =	vst v1;
	v0 =	vshll.u32 v0, $0x1  }
0x29: {  	p0 =	slt.u32 s7, $0x638;
	v7 =	vld [tilespmem:s13+$0xFFFFFFE0];
	[tilespmem:s6+$0x10] =	vst v0;
	v0 =	vshll.u32 v2, $0x1  }
.Ltmp2:
0x2a: {  	v1 =	vld [tilespmem:s13+$0x0];
	[tilespmem:s6+$0x20] =	vst v0;
	v2 =	vshll.u32 v3, $0x1;
	(pc) =	sbr.rel @p0 .LBB2_2-.Ltmp2, $4  }
0x2b: {  	v0 =	vld [tilespmem:s13+$0x10];
	v3 =	vshll.u32 v4, $0x1;
	[tilespmem:s6+$0x30] =	vst v2  }
0x2c: {  	v4 =	vshll.u32 v6, $0x1;
	v2 =	vld [tilespmem:s13+$0x20];
	[tilespmem:s6+$0xFFFFFFF0] =	vst v3;
	s6 =	smov.u32 s13  }
0x2d: {  	[tilespmem:s13+$0xFFFFFFC0] =	vst v4;
	v4 =	vshll.u32 v5, $0x1;
	v3 =	vld [tilespmem:s13+$0x30]  }
0x2e: {  	s13 =	sadd.s32 $0x80, s13;
	[tilespmem:s6+$0xFFFFFFD0] =	vst v4;
	v5 =	vshll.u32 v7, $0x1;
	v4 =	vld [tilespmem:s6+$0xFFFFFFF0]  }
0x2f: {  	[tilespmem:s6+$0xFFFFFFE0] =	vst v5;
	v1 =	vshll.u32 v1, $0x1  }
0x30: {  	[tilespmem:s6+$0x0] =	vst v1;
	v0 =	vshll.u32 v0, $0x1  }
0x31: {  	[tilespmem:s6+$0x10] =	vst v0;
	v61 =	vshll.u32 v2, $0x1  }
0x32: {  	[tilespmem:s6+$0x20] =	vst v61;
	v62 =	vshll.u32 v3, $0x1  }
0x33: {  	v63 =	vshll.u32 v4, $0x1;
	[tilespmem:s6+$0x30] =	vst v62  }
0x34: {  	s13 =	simm.s32 $0x0;
	[tilespmem:s6+$0xFFFFFFF0] =	vst v63  }
0x35: {  	[tilespmem:s10], [sflag:$0x1] =	stream.indirect.gather [hbm4b:s3+s9], $0x40, s13, s9, $0xb8;
	[tilespmem:$0x1F400] =	vst v63  }
0x36: {  	s4 =	simm.s32 $0x7800  }
0x37: {  	[tilespmem:s4], [sflag:$0x1] =	stream.indirect.gather [hbm4b:s3+s9], $0x40, s9, s9, $0xb8;
	[tilespmem:$0x1F400] =	vst v63  }
0x38: {  	s7 =	simm.s32 $0xA0;
	s19 =	simm.s32 $0x8C00  }
0x39: {  	[tilespmem:s19], [sflag:$0x1] =	stream.indirect.gather [hbm4b:s3+s9], $0x40, s7, s9, $0xb8;
	[tilespmem:$0x1F400] =	vst v63  }
0x3a: {  	s21 =	simm.s32 $0xF0;
	s23 =	simm.s32 $0xA000  }
0x3b: {  	[tilespmem:s23], [sflag:$0x1] =	stream.indirect.gather [hbm4b:s3+s9], $0x40, s21, s9, $0xb8;
	[tilespmem:$0x1F400] =	vst v63  }
0x3c: {  	s7 =	simm.s32 $0x140;
	s19 =	simm.s32 $0xB400  }
0x3d: {  	[tilespmem:s19], [sflag:$0x1] =	stream.indirect.gather [hbm4b:s3+s9], $0x40, s7, s9, $0xb8;
	[tilespmem:$0x1F400] =	vst v63  }
0x3e: {  	s21 =	simm.s32 $0x190;
	s23 =	simm.s32 $0xC800  }
0x3f: {  	[tilespmem:s23], [sflag:$0x1] =	stream.indirect.gather [hbm4b:s3+s9], $0x40, s21, s9, $0xb8;
	[tilespmem:$0x1F400] =	vst v63  }
0x40: {  	s7 =	simm.s32 $0x1E0;
	s19 =	simm.s32 $0xDC00  }
0x41: {  	[tilespmem:s19], [sflag:$0x1] =	stream.indirect.gather [hbm4b:s3+s9], $0x40, s7, s9, $0xb8;
	[tilespmem:$0x1F400] =	vst v63  }
0x42: {  	s21 =	simm.s32 $0x230;
	s23 =	simm.s32 $0xF000  }
0x43: {  	[tilespmem:s23], [sflag:$0x1] =	stream.indirect.gather [hbm4b:s3+s9], $0x40, s21, s9, $0xb8;
	[tilespmem:$0x1F400] =	vst v63  }
0x44: {  	s7 =	simm.s32 $0x280;
	s19 =	simm.s32 $0x10400  }
0x45: {  	[tilespmem:s19], [sflag:$0x1] =	stream.indirect.gather [hbm4b:s3+s9], $0x40, s7, s9, $0xb8;
	[tilespmem:$0x1F400] =	vst v63  }
0x46: {  	s21 =	simm.s32 $0x2D0;
	s23 =	simm.s32 $0x11800  }
0x47: {  	[tilespmem:s23], [sflag:$0x1] =	stream.indirect.gather [hbm4b:s3+s9], $0x40, s21, s9, $0xb8;
	[tilespmem:$0x1F400] =	vst v63  }
0x48: {  	s6 =	simm.s32 $0x320  }
0x49: {  	[tilespmem:s30], [sflag:$0x2] =	stream.indirect.gather [hbm4b:s3+s9], $0x40, s6, s9, $0xb8;
	[tilespmem:$0x1F400] =	vst v63  }
0x4a: {  	s7 =	simm.s32 $0x370  }
0x4b: {  	[tilespmem:s0], [sflag:$0x2] =	stream.indirect.gather [hbm4b:s3+s9], $0x40, s7, s9, $0xb8;
	[tilespmem:$0x1F400] =	vst v63  }
0x4c: {  	s19 =	simm.s32 $0x3C0  }
0x4d: {  	[tilespmem:s2], [sflag:$0x2] =	stream.indirect.gather [hbm4b:s3+s9], $0x40, s19, s9, $0xb8;
	[tilespmem:$0x1F400] =	vst v63  }
0x4e: {  	s21 =	simm.s32 $0x410  }
0x4f: {  	[tilespmem:s12], [sflag:$0x2] =	stream.indirect.gather [hbm4b:s3+s9], $0x40, s21, s9, $0xb8;
	[tilespmem:$0x1F400] =	vst v63  }
0x50: {  	s23 =	simm.s32 $0x460  }
0x51: {  	[tilespmem:s14], [sflag:$0x2] =	stream.indirect.gather [hbm4b:s3+s9], $0x40, s23, s9, $0xb8;
	[tilespmem:$0x1F400] =	vst v63  }
0x52: {  	s6 =	simm.s32 $0x4B0  }
0x53: {  	[tilespmem:s16], [sflag:$0x2] =	stream.indirect.gather [hbm4b:s3+s9], $0x40, s6, s9, $0xb8;
	[tilespmem:$0x1F400] =	vst v63  }
0x54: {  	s7 =	simm.s32 $0x500  }
0x55: {  	[tilespmem:s18], [sflag:$0x2] =	stream.indirect.gather [hbm4b:s3+s9], $0x40, s7, s9, $0xb8;
	[tilespmem:$0x1F400] =	vst v63  }
0x56: {  	s19 =	simm.s32 $0x550  }
0x57: {  	[tilespmem:s20], [sflag:$0x2] =	stream.indirect.gather [hbm4b:s3+s9], $0x40, s19, s9, $0xb8;
	[tilespmem:$0x1F400] =	vst v63  }
0x58: {  	s21 =	simm.s32 $0x5A0  }
0x59: {  	[tilespmem:s22], [sflag:$0x2] =	stream.indirect.gather [hbm4b:s3+s9], $0x40, s21, s9, $0xb8;
	[tilespmem:$0x1F400] =	vst v63  }
0x5a: {  	s23 =	simm.s32 $0x5F0;
	s6 =	smov.u32 s17;
	s7 =	smov.u32 s15  }
0x5b: {  	[tilespmem:s24], [sflag:$0x2] =	stream.indirect.gather [hbm4b:s3+s9], $0x40, s23, s9, $0xb8;
	[tilespmem:$0x1F400] =	vst v63  }
.LBB2_4:
0x5c: {  	_ =	swait.ge [sflag:s25], $0x1400  }
0x5d: {  	[sflag:s25] =	ssyncset.done $0x0  }
0x5e: {  	[sflag:s25] =	ssyncadd.s32 $0xFFFFEC00  }
0x5f: {  	_ =	swait.ge [sflag:s25], $0x1400  }
0x60: {  	[sflag:s25] =	ssyncset.done $0x0  }
0x61: {  	[sflag:s25] =	ssyncadd.s32 $0xFFFFEC00  }
0x62: {  	_ =	swait.ge [sflag:s25], $0x1400  }
0x63: {  	[sflag:s25] =	ssyncset.done $0x0  }
0x64: {  	[sflag:s25] =	ssyncadd.s32 $0xFFFFEC00  }
0x65: {  	_ =	swait.ge [sflag:s25], $0x1400  }
0x66: {  	[sflag:s25] =	ssyncset.done $0x0  }
0x67: {  	[sflag:s25] =	ssyncadd.s32 $0xFFFFEC00  }
0x68: {  	_ =	swait.ge [sflag:s25], $0x1400  }
0x69: {  	[sflag:s25] =	ssyncset.done $0x0  }
0x6a: {  	[sflag:s25] =	ssyncadd.s32 $0xFFFFEC00  }
0x6b: {  	_ =	swait.ge [sflag:s25], $0x1400  }
0x6c: {  	[sflag:s25] =	ssyncset.done $0x0  }
0x6d: {  	[sflag:s25] =	ssyncadd.s32 $0xFFFFEC00  }
0x6e: {  	_ =	swait.ge [sflag:s25], $0x1400  }
0x6f: {  	[sflag:s25] =	ssyncset.done $0x0  }
0x70: {  	[sflag:s25] =	ssyncadd.s32 $0xFFFFEC00  }
0x71: {  	_ =	swait.ge [sflag:s25], $0x1400  }
0x72: {  	[sflag:s25] =	ssyncset.done $0x0  }
0x73: {  	[sflag:s25] =	ssyncadd.s32 $0xFFFFEC00  }
0x74: {  	_ =	swait.ge [sflag:s25], $0x1400  }
0x75: {  	[sflag:s25] =	ssyncset.done $0x0  }
0x76: {  	[sflag:s25] =	ssyncadd.s32 $0xFFFFEC00  }
0x77: {  	_ =	swait.ge [sflag:s25], $0x1400  }
0x78: {  	p0 =	seq.s32 s13, $0x17700;
	[sflag:s25] =	ssyncset.done $0x0  }
0x79: {  	s19 =	simm.s32 @!p0 $0x3;
	[sflag:s25] =	ssyncadd.s32 $0xFFFFEC00  }
0x7a: {  	[hbm4b:s7+s26] =	stream.strided.scatter [tilespmem:s10], [sflag:$0x3], $0xC800, s28, s26, $0x38;
	[tilespmem:$0x1F400] =	vst v63  }
0x7b: {  	_ =	swait.ge @!p0 [sflag:s19], $0xC800  }
0x7c: {  	[sflag:s19] =	ssyncset.done @!p0 $0x0  }
0x7d: {  	[sflag:s19] =	ssyncadd.s32 @!p0 $0xFFFF3800;
	s19 =	sshra.s32 @!p0 s13, $0x2  }
0x7e: {  	s23 =	simm.s32 @!p0 $0x50;
	s4 =	simm.s32 @!p0 $0x6400;
	s21 =	sadd.s32 @!p0 $0x640, s19  }
0x7f: {  	[tilespmem:s4], [sflag:$0x1] =	stream.indirect.gather @!p0 [hbm4b:s3+s23], $0x40, s21, s23, $0xb8;
	[tilespmem:$0x1F400] =	vst v63  }
0x80: {  	s4 =	sadd.s32 @!p0 $0x690, s19;
	s21 =	simm.s32 @!p0 $0x7800  }
0x81: {  	[tilespmem:s21], [sflag:$0x1] =	stream.indirect.gather @!p0 [hbm4b:s3+s23], $0x40, s4, s23, $0xb8;
	[tilespmem:$0x1F400] =	vst v63  }
0x82: {  	s4 =	sadd.s32 @!p0 $0x6E0, s19;
	s21 =	simm.s32 @!p0 $0x8C00  }
0x83: {  	[tilespmem:s21], [sflag:$0x1] =	stream.indirect.gather @!p0 [hbm4b:s3+s23], $0x40, s4, s23, $0xb8;
	[tilespmem:$0x1F400] =	vst v63  }
0x84: {  	s4 =	sadd.s32 @!p0 $0x730, s19;
	s21 =	simm.s32 @!p0 $0xA000  }
0x85: {  	[tilespmem:s21], [sflag:$0x1] =	stream.indirect.gather @!p0 [hbm4b:s3+s23], $0x40, s4, s23, $0xb8;
	[tilespmem:$0x1F400] =	vst v63  }
0x86: {  	s4 =	sadd.s32 @!p0 $0x780, s19;
	s21 =	simm.s32 @!p0 $0xB400  }
0x87: {  	[tilespmem:s21], [sflag:$0x1] =	stream.indirect.gather @!p0 [hbm4b:s3+s23], $0x40, s4, s23, $0xb8;
	[tilespmem:$0x1F400] =	vst v63  }
0x88: {  	s4 =	sadd.s32 @!p0 $0x7D0, s19;
	s21 =	simm.s32 @!p0 $0xC800  }
0x89: {  	[tilespmem:s21], [sflag:$0x1] =	stream.indirect.gather @!p0 [hbm4b:s3+s23], $0x40, s4, s23, $0xb8;
	[tilespmem:$0x1F400] =	vst v63  }
0x8a: {  	s4 =	sadd.s32 @!p0 $0x820, s19;
	s21 =	simm.s32 @!p0 $0xDC00  }
0x8b: {  	[tilespmem:s21], [sflag:$0x1] =	stream.indirect.gather @!p0 [hbm4b:s3+s23], $0x40, s4, s23, $0xb8;
	[tilespmem:$0x1F400] =	vst v63  }
0x8c: {  	s4 =	sadd.s32 @!p0 $0x870, s19;
	s21 =	simm.s32 @!p0 $0xF000  }
0x8d: {  	[tilespmem:s21], [sflag:$0x1] =	stream.indirect.gather @!p0 [hbm4b:s3+s23], $0x40, s4, s23, $0xb8;
	[tilespmem:$0x1F400] =	vst v63  }
0x8e: {  	s4 =	sadd.s32 @!p0 $0x8C0, s19;
	s21 =	simm.s32 @!p0 $0x10400  }
0x8f: {  	[tilespmem:s21], [sflag:$0x1] =	stream.indirect.gather @!p0 [hbm4b:s3+s23], $0x40, s4, s23, $0xb8;
	[tilespmem:$0x1F400] =	vst v63  }
0x90: {  	s4 =	sadd.s32 @!p0 $0x910, s19;
	s19 =	simm.s32 @!p0 $0x11800  }
0x91: {  	[tilespmem:s19], [sflag:$0x1] =	stream.indirect.gather @!p0 [hbm4b:s3+s23], $0x40, s4, s23, $0xb8;
	[tilespmem:$0x1F400] =	vst v63  }
0x92: {  	_ =	swait.ge [sflag:s29], $0x1400  }
0x93: {  	[sflag:s29] =	ssyncset.done $0x0  }
0x94: {  	[sflag:s29] =	ssyncadd.s32 $0xFFFFEC00  }
0x95: {  	_ =	swait.ge [sflag:s29], $0x1400  }
0x96: {  	[sflag:s29] =	ssyncset.done $0x0  }
0x97: {  	[sflag:s29] =	ssyncadd.s32 $0xFFFFEC00  }
0x98: {  	_ =	swait.ge [sflag:s29], $0x1400  }
0x99: {  	[sflag:s29] =	ssyncset.done $0x0  }
0x9a: {  	[sflag:s29] =	ssyncadd.s32 $0xFFFFEC00  }
0x9b: {  	_ =	swait.ge [sflag:s29], $0x1400  }
0x9c: {  	[sflag:s29] =	ssyncset.done $0x0  }
0x9d: {  	[sflag:s29] =	ssyncadd.s32 $0xFFFFEC00  }
0x9e: {  	_ =	swait.ge [sflag:s29], $0x1400  }
0x9f: {  	[sflag:s29] =	ssyncset.done $0x0  }
0xa0: {  	[sflag:s29] =	ssyncadd.s32 $0xFFFFEC00  }
0xa1: {  	_ =	swait.ge [sflag:s29], $0x1400  }
0xa2: {  	[sflag:s29] =	ssyncset.done $0x0  }
0xa3: {  	[sflag:s29] =	ssyncadd.s32 $0xFFFFEC00  }
0xa4: {  	_ =	swait.ge [sflag:s29], $0x1400  }
0xa5: {  	[sflag:s29] =	ssyncset.done $0x0  }
0xa6: {  	[sflag:s29] =	ssyncadd.s32 $0xFFFFEC00  }
0xa7: {  	_ =	swait.ge [sflag:s29], $0x1400  }
0xa8: {  	[sflag:s29] =	ssyncset.done $0x0  }
0xa9: {  	[sflag:s29] =	ssyncadd.s32 $0xFFFFEC00  }
0xaa: {  	_ =	swait.ge [sflag:s29], $0x1400  }
0xab: {  	[sflag:s29] =	ssyncset.done $0x0  }
.Ltmp3:
0xac: {  	[sflag:s29] =	ssyncadd.s32 $0xFFFFEC00;
	(pc) =	sbr.rel @p0 .LBB2_6-.Ltmp3, $4  }
0xad: {  	_ =	swait.ge [sflag:s29], $0x1400  }
0xae: {  	[sflag:s29] =	ssyncset.done $0x0  }
0xaf: {  	[sflag:s29] =	ssyncadd.s32 $0xFFFFEC00  }
0xb0: {  	[hbm4b:s6+s26] =	stream.strided.scatter [tilespmem:s30], [sflag:$0x4], $0xC800, s28, s26, $0x38;
	[tilespmem:$0x1F400] =	vst v63  }
0xb1: {  	_ =	swait.ge [sflag:s1], $0xC800  }
0xb2: {  	s4 =	sshra.s32 s13, $0x2;
	[sflag:s1] =	ssyncset.done $0x0  }
0xb3: {  	s19 =	sadd.s32 $0x960, s4;
	[sflag:s1] =	ssyncadd.s32 $0xFFFF3800  }
0xb4: {  	[tilespmem:s30], [sflag:$0x2] =	stream.indirect.gather [hbm4b:s3+s9], $0x40, s19, s9, $0xb8;
	[tilespmem:$0x1F400] =	vst v63  }
0xb5: {  	s21 =	sadd.s32 $0x9B0, s4  }
0xb6: {  	[tilespmem:s0], [sflag:$0x2] =	stream.indirect.gather [hbm4b:s3+s9], $0x40, s21, s9, $0xb8;
	[tilespmem:$0x1F400] =	vst v63  }
0xb7: {  	s23 =	sadd.s32 $0xA00, s4  }
0xb8: {  	[tilespmem:s2], [sflag:$0x2] =	stream.indirect.gather [hbm4b:s3+s9], $0x40, s23, s9, $0xb8;
	[tilespmem:$0x1F400] =	vst v63  }
0xb9: {  	s21 =	sadd.s32 $0xA50, s4  }
0xba: {  	[tilespmem:s12], [sflag:$0x2] =	stream.indirect.gather [hbm4b:s3+s9], $0x40, s21, s9, $0xb8;
	[tilespmem:$0x1F400] =	vst v63  }
0xbb: {  	s23 =	sadd.s32 $0xAA0, s4  }
0xbc: {  	[tilespmem:s14], [sflag:$0x2] =	stream.indirect.gather [hbm4b:s3+s9], $0x40, s23, s9, $0xb8;
	[tilespmem:$0x1F400] =	vst v63  }
0xbd: {  	s21 =	sadd.s32 $0xAF0, s4  }
0xbe: {  	[tilespmem:s16], [sflag:$0x2] =	stream.indirect.gather [hbm4b:s3+s9], $0x40, s21, s9, $0xb8;
	[tilespmem:$0x1F400] =	vst v63  }
0xbf: {  	s23 =	sadd.s32 $0xB40, s4  }
0xc0: {  	[tilespmem:s18], [sflag:$0x2] =	stream.indirect.gather [hbm4b:s3+s9], $0x40, s23, s9, $0xb8;
	[tilespmem:$0x1F400] =	vst v63  }
0xc1: {  	s21 =	sadd.s32 $0xB90, s4  }
0xc2: {  	[tilespmem:s20], [sflag:$0x2] =	stream.indirect.gather [hbm4b:s3+s9], $0x40, s21, s9, $0xb8;
	[tilespmem:$0x1F400] =	vst v63  }
.Ltmp4:
0xc3: {  	_ = 	snop;
	(pc) =	sbr.rel .LBB2_4-.Ltmp4, $4  }
0xc4: {  	s6 =	sadd.s32 $0x6400, s6;
	s23 =	sadd.s32 $0xBE0, s4  }
0xc5: {  	[tilespmem:s22], [sflag:$0x2] =	stream.indirect.gather [hbm4b:s3+s9], $0x40, s23, s9, $0xb8;
	[tilespmem:$0x1F400] =	vst v63  }
0xc6: {  	s13 =	sadd.s32 $0x1900, s13;
	s7 =	sadd.s32 $0x6400, s7;
	s4 =	sadd.s32 $0xC30, s4  }
0xc7: {  	[tilespmem:s24], [sflag:$0x2] =	stream.indirect.gather [hbm4b:s3+s9], $0x40, s4, s9, $0xb8;
	[tilespmem:$0x1F400] =	vst v63  }
.LBB2_7:
0xc8: {  	_ =	sfence.sel $0x180000  }
0xc9: {  	[bflag:$0x0] =	sbarrier.arrive $0xFFFF  }
0xca: {  	_ =	strace $0x9000004A  }
0xcb: {  	s0 =	stileid.u32;
	[bflag:$0x2] =	sbarrier.arrive $0xFFFF  }
0xcc: {  	p0 =	sne.s32 s0, $0x0;
	s0 =	rddreg [dreg:$0x2]  }
0xcd: {  	s0 =	sadd.s32 @!p0 $0x100000, s0  }
0xce: {  	[sflag:s0] =	ssyncadd.tile.s32 @!p0 $0x1;
	_ =	shalt  }
.Lfunc_end2:
_tile_overlayer_lowered:
.L_overlay_start_2:
0xcf: {  	(tag) =	ssettag $0x2  }
0xd0: {  	s0 =	rddreg [dreg:$0x0];
	s2 =	stileid.u32  }
0xd1: {  	s1 =	rddreg [dreg:$0x1];
	p0 =	sne.s32 s2, $0x0  }
0xd2: {  	s3 =	rddreg [dreg:$0x2];
	[bflag:$0x3] =	sbarrier.arrive $0xFFFF;
	s2 =	simm.s32 @!p0 $0x1C05  }
0xd3: {  	[timem:s3], [sflag:s2] =	dma.local @!p0 [hbm:s0], s1  }
0xd4: {  	s0 =	simm.s32 @!p0 $0x5  }
0xd5: {  	_ =	swait.ge @!p0 [sflag:s0], s1  }
0xd6: {  	s1 =	ssub.s32 @!p0 $0x0, s1;
	[sflag:s0] =	ssyncset.done @!p0 $0x0  }
0xd7: {  	[sflag:s0] =	ssyncadd.s32 @!p0 s1  }
0xd8: {  	[bflag:$0x3] =	sbarrier.arrive $0xFFFF  }
0xd9: {  	_ =	shalt  }

// kernel: sparse-core-data-format-call.1.cloned.1.call-start
scs
called_computation.1_lowered:
.L_overlay_start_0:
0x0: {  	s2 =	sld [smem:$0x3FD9]  }
0x1: {  	s3 =	sld [smem:$0x3FFE];
	_ =	sdelay $0x1  }
0x2: {  	s1 =	srdreg.scid  }
0x3: {  	s0 =	sand.u32 $0x1, s1  }
0x4: {  	s18 =	sshll.u32 s0, $0xA;
	s2 =	sadd.s32 s3, s2  }
0x5: {  	s2 =	sadd.s32 s2, s18  }
0x6: {  	[smem:$0x3FC6] =	sst s2  }
0x7: {  	_ = 	snop  }
0x8: {  	s2 =	sld [smem:$0x3FC8];
	(tm) =	ssettm $0x1  }
0x9: {  	s19 =	sld [smem:$0x3FFB];
	_ =	sdelay $0x3  }
0xa: {  	_ =	strace s19  }
0xb: {  	s3 =	sld [smem:$0x3FFC];
	_ =	sdelay $0x3  }
0xc: {  	_ =	strace s3  }
0xd: {  	s3 =	sld [smem:$0x3FFD];
	_ =	sdelay $0x3  }
0xe: {  	_ =	strace s3  }
0xf: {  	_ =	strace $0x8FFFFFFF  }
0x10: {  	s20 =	sld [smem:$0x3FDB];
	_ =	sdelay $0x1  }
0x11: {  	s4 =	simm.s32 $_scs_section_size  }
0x12: {  	s5 =	simm.s32 $_size__tile_overlayer_lowered;
	s6 =	simm.s32 $_tile_overlayer_lowered  }
0x13: {  	s23 =	simm.s32 $0x1BFF;
	s22 =	sshll.u32 s6, $0x1;
	s3 =	sadd.s32 s4, s20  }
0x14: {  	s7 =	simm.s32 $0x0;
	s21 =	sshll.u32 s5, $0x1;
	s5 =	sadd.s32 s22, s3  }
0x15: {  	[timem:s7], [sflag:s23] =	dma.local [hbm:s5], s21  }
0x16: {  	_ =	swait.ge [sflag:s23], s21  }
0x17: {  	s4 =	ssub.s32 $0x0, s21;
	[sflag:s23] =	ssyncset.done $0x0  }
0x18: {  	[sflag:s23] =	ssyncadd.s32 s4;
	_ =	sdelay $0x1  }
0x19: {  	s24 =	simm.s32 $0x1B8B  }
0x1a: {  	_ =	swait.ge [sflag:s24], $0x1  }
0x1b: {  	[sflag:s24] =	ssyncset.done $0x0  }
0x1c: {  	s26 =	simm.s32 $0x1B8E;
	s25 =	sld [smem:$0x3FFE];
	[sflag:s24] =	ssyncadd.s32 $0xFFFFFFFF  }
0x1d: {  	s27 =	simm.s32 $execute0_lowered;
	[smem:$0x3FD2] =	sst s26  }
0x1e: {  	s5 =	sshll.u32 s27, $0x1;
	_ =	strace $0x80000046;
	[dreg:$0x1] =	wrdreg $0xFFFFFFFF  }
0x1f: {  	s28 =	simm.s32 $_size_execute0_lowered;
	s3 =	sadd.s32 s3, s5;
	[dreg:$0x0] =	wrdreg $0x0  }
0x20: {  	s5 =	sshll.u32 s28, $0x1;
	[dreg:$0x2] =	wrdreg s3  }
0x21: {  	[dreg:$0x3] =	wrdreg s5  }
0x22: {  	[dreg:$0x4] =	wrdreg $0xC0  }
0x23: {  	_ =	task [dreg:s7], $0x5FFFF  }
0x24: {  	[dreg:$0x1] =	wrdreg $0xFFFFFFFF  }
0x25: {  	[dreg:$0x0] =	wrdreg $0x60  }
0x26: {  	[dreg:$0x2] =	wrdreg s2  }
0x27: {  	[dreg:$0x3] =	wrdreg s25  }
0x28: {  	[dreg:$0x4] =	wrdreg $0x9  }
0x29: {  	_ =	task.clear_ibuf [dreg:s7], $0x5FFFF;
	_ =	strace $0x90000046  }
0x2a: {  	s29 =	simm.s32 $0x9;
	_ =	strace $0x80000048  }
0x2b: {  	_ =	swait.ge [sflag:s29], $0x1  }
0x2c: {  	[sflag:s29] =	ssyncadd.s32 $0xFFFFFFFF  }
0x2d: {  	_ =	strace $0x90000048  }
0x2e: {  	_ =	sfence  }
0x2f: {  	s30 =	sld [smem:$0x0];
	_ =	sdelay $0x2  }
0x30: {  	s31 =	sshll.u32 s1, $0xD;
	s1 =	sshrl.u32 s1, $0x2  }
0x31: {  	s3 =	sand.u32 $0x4000, s31;
	s1 =	sadd.s32 s1, s30  }
0x32: {  	s0 =	sor.u32 s3, s0;
	s1 =	sshll.u32 s1, $0x11  }
0x33: {  	s0 =	sor.u32 s1, s0  }
0x34: {  	s0 =	sadd.s32 $0x8F2B, s0  }
0x35: {  	[sflag:s0] =	ssyncadd.remote.s32 $0x1  }
0x36: {  	_ =	sfence.sel $0xFFFF  }
0x37: {  	[dreg:$0x0] =	wrdreg $0xFFFFFFFF;
	(pc) =	sbr.abs _section_cstart, $3  }
0x38: {  	[dreg:$0x1] =	wrdreg $0xFFFFFFFF  }
0x39: {  	_ =	task.clear_ibuf [dreg:s7], $0x2FFFF;
	_ =	strace $0x9FFFFFFF  }
0x3a: {  	(tm) =	ssettm $0x7FFFFFFF  }
0x3b: {  	_ =	shalt  }
tec
execute0_lowered:
.L_overlay_start_1:
0x0: {  	(tag) =	ssettag $0x1  }
0x1: {  	s0 =	srdreg.scid;
	s2 =	rddreg [dreg:$0x0]  }
0x2: {  	s5 =	rddreg [dreg:$0x1];
	s1 =	stileid.u32  }
0x3: {  	s4 =	simm.s32 $0x1;
	s6 =	simm.s32 $0x2;
	s15 =	simm.s32 $0x0  }
0x4: {  	p0 =	por $0x0, $0x0;
	s8 =	simm.s32 $0x80;
	s0 =	sshll.u32 s0, $0x4  }
0x5: {  	s14 =	simm.s32 $0x0;
	s9 =	simm.s32 $0x0;
	s3 =	sand.u32 $0x10, s0  }
.Ltmp0:
0x6: {  	s10 =	simm.s32 $0x0;
	s3 =	sor.u32 s1, s3;
	(pc) =	sbr.rel .LBB1_1-.Ltmp0, $4  }
0x7: {  	s0 =	rddreg [dreg:$0x2];
	_ =	strace $0x80000047;
	s3 =	sshll.u32 s3, $0x7  }
0x8: {  	s12 =	simm.s32 $0x0;
	[sflag:s4] =	ssyncpa.u1 $0x0;
	s7 =	ssub.s32 $0xF4200, s3  }
0x9: {  	s13 =	simm.s32 $0x0;
	[sflag:s6] =	ssyncpa.u1 $0x0;
	s6 =	sshrl.u32 s7, $0xC  }
0xa: {  	s5 =	sadd.s32 $0xE00, s5;
	s11 =	smov.u32 s3;
	s7 =	sadd.s32 $0x2, s6  }
.LBB1_5:
0xb: {  	p1 =	slt.u32 s13, $0x2  }
0xc: {  	s17 =	smov.u32 s15;
	p2 =	sgt.s32 @!p1 s15, $0xF41C0;
	s16 =	sshra.s32 @!p1 s15, $0x1F  }
0xd: {  	p3 =	sgt.s32 @!p1 s14, $0x40;
	s18 =	sshra.s32 @!p1 s14, $0x1F;
	p2 =	por !p2, p1  }
0xe: {  	s15 =	sand.u32 @!p1 s16, s15;
	p3 =	por !p3, p1;
	s16 =	smov.u32 s14  }
0xf: {  	s14 =	sand.u32 @!p1 s18, s14;
	s17 =	simm.s32 @p2 $0xF41C0;
	s16 =	simm.s32 @p3 $0x40  }
0x10: {  	s15 =	ssub.s32 @!p1 s17, s15;
	s14 =	ssub.s32 @!p1 s16, s14  }
0x11: {  	s18 =	smov.u32 s12;
	s16 =	sadd.s32 @!p1 $0xFFF0BE40, s15;
	s17 =	sadd.s32 @!p1 $0xFFFFFFC0, s14  }
0x12: {  	s15 =	ssub.s32 @!p1 $0xF4240, s15;
	p2 =	sgt.s32 @!p1 s16, $0x7F;
	p3 =	sgt.s32 @!p1 s17, $0x3F  }
0x13: {  	s14 =	ssub.s32 @!p1 $0x80, s14;
	p2 =	por !p2, p1;
	p3 =	por !p3, p1  }
0x14: {  	s16 =	sadd.s32 $0x1000, s11;
	s15 =	simm.s32 @!p2 $0x0;
	s14 =	simm.s32 @!p3 $0x0  }
0x15: {  	p2 =	sgt.s32 s16, $0xF423F;
	s14 =	smul.u32 @!p1 s14, s15;
	s15 =	sadd.s32 $0x40, s12  }
0x16: {  	s18 =	smov.u32 @p2 s15  }
0x17: {  	s16 =	smov.u32 @p2 s3;
	p2 =	sgt.s32 s18, $0x3F  }
0x18: {  	s18 =	simm.s32 @p2 $0x0;
	p2 =	sne.s32 s13, s7  }
.Ltmp1:
0x19: {  	p0 =	por !p0, !p0;
	s17 =	simm.s32 @!p1 $0x2;
	(pc) =	sbr.rel @!p2 .LBB1_6-.Ltmp1, $4  }
0x1a: {  	s15 =	smov.u32 s9;
	s9 =	smov.u32 s11;
	s14 =	sand.u32 @!p1 $0x3FFFFFFF, s14  }
0x1b: {  	s11 =	smov.u32 s16;
	_ =	swait.ge @!p1 [sflag:s17], s14;
	s19 =	ssub.s32 @!p1 $0x0, s14  }
0x1c: {  	s14 =	smov.u32 s10;
	s13 =	sadd.s32 $0x1, s13;
	[sflag:s17] =	ssyncset.done @!p1 $0x0  }
0x1d: {  	s10 =	smov.u32 s12;
	s12 =	smov.u32 s18;
	[sflag:s17] =	ssyncadd.s32 @!p1 s19  }
.LBB1_1:
0x1e: {  	p1 =	sgt.u32 s13, s6  }
0x1f: {  	s16 =	sshrl.u32 @!p1 s12, $0x3  }
0x20: {  	s17 =	sshll.u32 @!p1 s11, $0x3;
	s16 =	smul.u32 @!p1 $0x7A1400, s16  }
0x21: {  	s18 =	sshll.u32 @!p1 s12, $0x7;
	s17 =	sand.u32 @!p1 $0xFFFFFC00, s17  }
0x22: {  	s16 =	sadd.s32 @!p1 s16, s17;
	s17 =	sand.u32 @!p1 $0x380, s18  }
0x23: {  	s18 =	sand.u32 @!p1 $0x7F, s11;
	s16 =	sor.u32 @!p1 s17, s16  }
0x24: {  	s17 =	sor.u32 @!p1 s18, s16  }
0x25: {  	s18 =	smulhi.u32 @!p1 $0x218D6287, s17;
	_ =	sdelay $0x1  }
0x26: {  	s16 =	smulhi.u32 @!p1 $0x218D6287, s16;
	s18 =	sshrl.u32 @!p1 s18, $0x11  }
0x27: {  	s18 =	smul.u32 @!p1 $0xF4280, s18  }
0x28: {  	s19 =	sxor.u32 @!p1 $0xFFFFFFFF, s13;
	s16 =	sshrl.u32 @!p1 s16, $0x11  }
0x29: {  	s19 =	sshll.u32 @!p1 s19, $0xD;
	s16 =	sand.u32 @!p1 $0x3F, s16;
	s17 =	ssub.s32 @!p1 s17, s18  }
0x2a: {  	s16 =	smul.u32 @!p1 $0x1E850, s16;
	s18 =	sshrl.u32 @!p1 s17, $0x3;
	s17 =	sand.u32 @!p1 $0x7, s17  }
0x2b: {  	s19 =	sand.u32 @!p1 $0x2000, s19;
	s18 =	sadd.s32 @!p1 s2, s18;
	s17 =	sshll.u32 @!p1 s17, $0x12  }
0x2c: {  	s16 =	sadd.s32 @!p1 s16, s18;
	s17 =	sor.u32 @!p1 $0x400, s17;
	s18 =	simm.s32 @!p1 $0x7A1400  }
0x2d: {  	[tilespmem:s19], [sflag:$0x1] =	stream.strided.gather @!p1 [hbm4b:s16+s17], $0x2000, s18, s17, $0x38;
	[tilespmem:$0x8100] =	vst v63  }
0x2e: {  	p1 =	seq.s32 s13, $0x0  }
0x2f: {  	p2 =	sge.u32 @!p1 s13, s7  }
0x30: {  	p1 =	por p1, p2  }
.Ltmp2:
0x31: {  	_ = 	snop;
	(pc) =	sbr.rel @p1 .LBB1_5-.Ltmp2, $1  }
0x32: {  	_ =	sdelay $0x3  }
0x33: {  	s16 =	simm.s32 $0x1  }
0x34: {  	_ =	swait.ge [sflag:s4], $0x2000;
	s16 =	simm.s32 @!p0 $0x0  }
0x35: {  	[sflag:s4] =	ssyncset.done $0x0;
	s17 =	sshll.u32 s16, $0xD  }
0x36: {  	[sflag:s4] =	ssyncadd.s32 $0xFFFFE000;
	s17 =	sor.u32 $0x40, s17  }
0x37: {  	s16 =	smul.u32 $0x8200, s16;
	v0 =	vld [tilespmem:s17+$0x30]  }
0x38: {  	v1 =	vld [tilespmem:s17+$0xFFFFFFD0]  }
0x39: {  	s16 =	sshrl.u32 s16, $0x2;
	v5 =	vld [tilespmem:s17+$0xFFFFFFE0]  }
0x3a: {  	v6 =	vld [tilespmem:s17+$0xFFFFFFF0];
	s19 =	sor.u32 $0x4000, s16  }
0x3b: {  	s31 =	sand.u32 $0x1, s13;
	v4 =	vld [tilespmem:s17+$0x0];
	s18 =	sadd.s32 $0x0, s19  }
0x3c: {  	v3 =	vld [tilespmem:s17+$0x10];
	s16 =	smul.u32 $0x8200, s31;
	[tilespmem:s18+$0x1C70 ss:$0x41] =	vst.msk $0xffff, v0  }
0x3d: {  	v2 =	vld [tilespmem:s17+$0x20];
	[tilespmem:s18+$0x410 ss:$0x41] =	vst.msk $0xffff, v1  }
0x3e: {  	s16 =	sshrl.u32 s16, $0x2;
	v1 =	vld [tilespmem:s17+$0xFFFFFFC0];
	[tilespmem:s18+$0x820 ss:$0x41] =	vst.msk $0xffff, v5;
	s17 =	sadd.s32 $0x80, s17  }
0x3f: {  	s20 =	simm.s32 $0x4;
	s21 =	simm.s32 $0x8;
	s16 =	sor.u32 $0x4000, s16;
	[tilespmem:s18+$0xC30 ss:$0x41] =	vst.msk $0xffff, v6;
	v0 =	vld [tilespmem:s17+$0x30]  }
.LBB1_3:
0x40: {  	p1 =	sne.s32 s21, $0xFC;
	v5 =	vld [tilespmem:s17+$0xFFFFFFD0];
	[tilespmem:s18+$0x1040 ss:$0x41] =	vst.msk $0xffff, v4  }
0x41: {  	v6 =	vld [tilespmem:s17+$0xFFFFFFE0];
	[tilespmem:s18+$0x1450 ss:$0x41] =	vst.msk $0xffff, v3  }
0x42: {  	s22 =	sshra.s32 s20, $0x2;
	s20 =	smov.u32 s21;
	v7 =	vld [tilespmem:s17+$0xFFFFFFF0];
	[tilespmem:s18+$0x1860 ss:$0x41] =	vst.msk $0xffff, v2  }
.Ltmp3:
0x43: {  	v4 =	vld [tilespmem:s17+$0x0];
	[tilespmem:s18+$0x0 ss:$0x41] =	vst.msk $0xffff, v1;
	s18 =	sadd.s32 s22, s19;
	(pc) =	sbr.rel @p1 .LBB1_3-.Ltmp3, $4  }
0x44: {  	v3 =	vld [tilespmem:s17+$0x10];
	[tilespmem:s18+$0x1C70 ss:$0x41] =	vst.msk $0xffff, v0  }
0x45: {  	[tilespmem:s18+$0x410 ss:$0x41] =	vst.msk $0xffff, v5;
	v2 =	vld [tilespmem:s17+$0x20]  }
0x46: {  	v1 =	vld [tilespmem:s17+$0xFFFFFFC0];
	[tilespmem:s18+$0x820 ss:$0x41] =	vst.msk $0xffff, v6;
	s17 =	sadd.s32 $0x80, s17  }
0x47: {  	s21 =	sadd.s32 $0x4, s21;
	v0 =	vld [tilespmem:s17+$0x30];
	[tilespmem:s18+$0xC30 ss:$0x41] =	vst.msk $0xffff, v7  }
0x48: {  	s21 =	sshll.u32 s9, $0x7;
	s22 =	sshll.u32 s10, $0x3;
	s20 =	sshra.s32 s20, $0x2  }
0x49: {  	p1 =	sgt.s32 s9, $0xF41C0;
	s30 =	sshra.s32 s9, $0x1F;
	s25 =	sshra.s32 s10, $0x1F  }
0x4a: {  	v5 =	vld [tilespmem:s17+$0xFFFFFFD0];
	s28 =	sshrl.u32 s10, $0x3;
	s23 =	sand.u32 $0xFFFFFC00, s21;
	s22 =	sand.u32 $0xFFFFFC00, s22  }
0x4b: {  	[tilespmem:s18+$0x1040 ss:$0x41] =	vst.msk $0xffff, v4;
	v58 =	vld [tilespmem:s17+$0xFFFFFFE0];
	s21 =	sand.u32 $0x380, s21;
	s19 =	sadd.s32 s20, s19;
	s22 =	sadd.s32 s22, s23  }
0x4c: {  	v59 =	vld [tilespmem:s17+$0xFFFFFFF0];
	[tilespmem:s18+$0x1450 ss:$0x41] =	vst.msk $0xffff, v3;
	s29 =	sor.u32 s21, s22;
	s21 =	smov.u32 s9;
	s22 =	sand.u32 s30, s9  }
0x4d: {  	v60 =	vld [tilespmem:s17+$0x0];
	[tilespmem:s18+$0x1860 ss:$0x41] =	vst.msk $0xffff, v2;
	s30 =	sand.u32 $0x7, s10;
	s20 =	sshrl.u32 s29, $0x7;
	s21 =	simm.s32 @!p1 $0xF41C0  }
0x4e: {  	v61 =	vld [tilespmem:s17+$0x10];
	[tilespmem:s18+$0x0 ss:$0x41] =	vst.msk $0xffff, v1;
	p1 =	sgt.s32 s10, $0x40;
	s24 =	ssub.s32 s21, s22;
	s21 =	smov.u32 s10  }
0x4f: {  	v62 =	vld [tilespmem:s17+$0x20];
	[tilespmem:s19+$0x1C70 ss:$0x41] =	vst.msk $0xffff, v0;
	s31 =	smulhi.u32 $0x218DEF5, s20;
	s22 =	sand.u32 s25, s10;
	s21 =	simm.s32 @!p1 $0x40  }
0x50: {  	v63 =	vld [tilespmem:s17+$0xFFFFFFC0];
	[tilespmem:s19+$0x410 ss:$0x41] =	vst.msk $0xffff, v5;
	s26 =	sadd.s32 $0xFFF0BE40, s24;
	s17 =	ssub.s32 $0xF4240, s24;
	s21 =	ssub.s32 s21, s22  }
0x51: {  	[tilespmem:s19+$0x820 ss:$0x41] =	vst.msk $0xffff, v58;
	s23 =	sshrl.u32 s31, $0xD;
	p1 =	sgt.s32 s26, $0x7F;
	s27 =	sadd.s32 $0xFFFFFFC0, s21  }
0x52: {  	[tilespmem:s19+$0xC30 ss:$0x41] =	vst.msk $0xffff, v59;
	s23 =	smul.u32 $0xF4240, s23;
	s18 =	ssub.s32 $0x80, s21;
	p2 =	sgt.s32 s27, $0x3F  }
.Ltmp4:
0x53: {  	[tilespmem:s19+$0x1040 ss:$0x41] =	vst.msk $0xffff, v60;
	s17 =	simm.s32 @p1 $0x0;
	s18 =	simm.s32 @p2 $0x0;
	(pc) =	sbr.rel .LBB1_5-.Ltmp4, $4  }
0x54: {  	s29 =	sand.u32 $0xF, s28;
	[tilespmem:s19+$0x1450 ss:$0x41] =	vst.msk $0xffff, v61;
	s20 =	ssub.s32 s20, s23;
	s17 =	smul.u32 s18, s17  }
0x55: {  	[tilespmem:s19+$0x1860 ss:$0x41] =	vst.msk $0xffff, v62;
	s21 =	sshll.u32 s30, $0x12;
	s20 =	sshll.u32 s20, $0x4;
	s18 =	sadd.s32 s5, s29  }
0x56: {  	[tilespmem:s19+$0x0 ss:$0x41] =	vst.msk $0xffff, v63;
	s31 =	sor.u32 $0x40, s21;
	s18 =	sadd.s32 s20, s18;
	s17 =	sand.u32 $0x3FFFFFFF, s17  }
0x57: {  	[hbm4b:s18+s31] =	stream.strided.scatter [tilespmem:s16], [sflag:$0x2], s17, s8, s31, $0x18;
	[tilespmem:$0x8100] =	vst v63  }
.LBB1_6:
0x58: {  	_ =	sfence.sel $0x180000  }
0x59: {  	s2 =	simm.s32 $0x1;
	[bflag:$0x0] =	sbarrier.arrive $0xFFFF  }
0x5a: {  	s31 =	simm.s32 $0x2;
	[sflag:s2] =	ssyncpa.u1 $0x1  }
0x5b: {  	[sflag:s31] =	ssyncpa.u1 $0x1  }
0x5c: {  	p0 =	sne.s32 s1, $0x0;
	_ =	strace $0x90000047  }
0x5d: {  	s0 =	sadd.s32 @!p0 $0x100000, s0;
	[bflag:$0x2] =	sbarrier.arrive $0xFFFF  }
0x5e: {  	[sflag:s0] =	ssyncadd.tile.s32 @!p0 $0x1;
	_ =	shalt  }
.Lfunc_end1:
_tile_overlayer_lowered:
.L_overlay_start_2:
0x5f: {  	(tag) =	ssettag $0x2  }
0x60: {  	s0 =	rddreg [dreg:$0x0];
	s2 =	stileid.u32  }
0x61: {  	s1 =	rddreg [dreg:$0x1];
	p0 =	sne.s32 s2, $0x0  }
0x62: {  	s3 =	rddreg [dreg:$0x2];
	[bflag:$0x3] =	sbarrier.arrive $0xFFFF;
	s2 =	simm.s32 @!p0 $0x1C01  }
0x63: {  	[timem:s3], [sflag:s2] =	dma.local @!p0 [hbm:s0], s1  }
0x64: {  	s0 =	simm.s32 @!p0 $0x1  }
0x65: {  	_ =	swait.ge @!p0 [sflag:s0], s1  }
0x66: {  	s1 =	ssub.s32 @!p0 $0x0, s1;
	[sflag:s0] =	ssyncset.done @!p0 $0x0  }
0x67: {  	[sflag:s0] =	ssyncadd.s32 @!p0 s1  }
0x68: {  	[bflag:$0x3] =	sbarrier.arrive $0xFFFF  }
0x69: {  	_ =	shalt  }

// kernel: sparse-core-data-format-call.cloned.1.call-start
scs
called_computation_lowered:
.L_overlay_start_0:
0x0: {  	s2 =	sld [smem:$0x3FD9]  }
0x1: {  	s3 =	sld [smem:$0x3FFE];
	_ =	sdelay $0x1  }
0x2: {  	s1 =	srdreg.scid  }
0x3: {  	s0 =	sand.u32 $0x1, s1  }
0x4: {  	s18 =	sshll.u32 s0, $0xA;
	s2 =	sadd.s32 s3, s2  }
0x5: {  	s2 =	sadd.s32 s2, s18  }
0x6: {  	[smem:$0x3FC6] =	sst s2  }
0x7: {  	_ = 	snop  }
0x8: {  	s2 =	sld [smem:$0x3FD0];
	(tm) =	ssettm $0x1  }
0x9: {  	s19 =	sld [smem:$0x3FFB];
	_ =	sdelay $0x3  }
0xa: {  	_ =	strace s19  }
0xb: {  	s3 =	sld [smem:$0x3FFC];
	_ =	sdelay $0x3  }
0xc: {  	_ =	strace s3  }
0xd: {  	s3 =	sld [smem:$0x3FFD];
	_ =	sdelay $0x3  }
0xe: {  	_ =	strace s3  }
0xf: {  	_ =	strace $0x8FFFFFFF  }
0x10: {  	s20 =	sld [smem:$0x3FDB];
	_ =	sdelay $0x1  }
0x11: {  	s4 =	simm.s32 $_scs_section_size  }
0x12: {  	s5 =	simm.s32 $_size__tile_overlayer_lowered;
	s6 =	simm.s32 $_tile_overlayer_lowered  }
0x13: {  	s23 =	simm.s32 $0x1BFF;
	s22 =	sshll.u32 s6, $0x1;
	s3 =	sadd.s32 s4, s20  }
0x14: {  	s7 =	simm.s32 $0x0;
	s21 =	sshll.u32 s5, $0x1;
	s5 =	sadd.s32 s22, s3  }
0x15: {  	[timem:s7], [sflag:s23] =	dma.local [hbm:s5], s21  }
0x16: {  	_ =	swait.ge [sflag:s23], s21  }
0x17: {  	s4 =	ssub.s32 $0x0, s21;
	[sflag:s23] =	ssyncset.done $0x0  }
0x18: {  	[sflag:s23] =	ssyncadd.s32 s4;
	_ =	sdelay $0x1  }
0x19: {  	s24 =	simm.s32 $0x1B8B  }
0x1a: {  	_ =	swait.ge [sflag:s24], $0x1  }
0x1b: {  	[sflag:s24] =	ssyncset.done $0x0  }
0x1c: {  	s26 =	simm.s32 $0x1B8E;
	s25 =	sld [smem:$0x3FFE];
	[sflag:s24] =	ssyncadd.s32 $0xFFFFFFFF  }
0x1d: {  	s27 =	simm.s32 $execute0_lowered;
	[smem:$0x3FD2] =	sst s26  }
0x1e: {  	s5 =	sshll.u32 s27, $0x1;
	_ =	strace $0x8000004C;
	[dreg:$0x1] =	wrdreg $0xFFFFFFFF  }
0x1f: {  	s28 =	simm.s32 $_size_execute0_lowered;
	s3 =	sadd.s32 s3, s5;
	[dreg:$0x0] =	wrdreg $0x0  }
0x20: {  	s5 =	sshll.u32 s28, $0x1;
	[dreg:$0x2] =	wrdreg s3  }
0x21: {  	[dreg:$0x3] =	wrdreg s5  }
0x22: {  	[dreg:$0x4] =	wrdreg $0xC0  }
0x23: {  	_ =	task [dreg:s7], $0x5FFFF  }
0x24: {  	[dreg:$0x1] =	wrdreg $0xFFFFFFFF  }
0x25: {  	[dreg:$0x0] =	wrdreg $0x60  }
0x26: {  	[dreg:$0x2] =	wrdreg s25  }
0x27: {  	[dreg:$0x3] =	wrdreg s2  }
0x28: {  	[dreg:$0x4] =	wrdreg $0x9  }
0x29: {  	_ =	task.clear_ibuf [dreg:s7], $0x5FFFF;
	_ =	strace $0x9000004C  }
0x2a: {  	s29 =	simm.s32 $0x9;
	_ =	strace $0x8000004E  }
0x2b: {  	_ =	swait.ge [sflag:s29], $0x1  }
0x2c: {  	[sflag:s29] =	ssyncadd.s32 $0xFFFFFFFF  }
0x2d: {  	_ =	strace $0x9000004E  }
0x2e: {  	_ =	sfence  }
0x2f: {  	s30 =	sld [smem:$0x0];
	_ =	sdelay $0x2  }
0x30: {  	s31 =	sshll.u32 s1, $0xD;
	s1 =	sshrl.u32 s1, $0x2  }
0x31: {  	s3 =	sand.u32 $0x4000, s31;
	s1 =	sadd.s32 s1, s30  }
0x32: {  	s0 =	sor.u32 s3, s0;
	s1 =	sshll.u32 s1, $0x11  }
0x33: {  	s0 =	sor.u32 s1, s0  }
0x34: {  	s0 =	sadd.s32 $0x8F2B, s0  }
0x35: {  	[sflag:s0] =	ssyncadd.remote.s32 $0x1  }
0x36: {  	_ =	sfence.sel $0xFFFF  }
0x37: {  	[dreg:$0x0] =	wrdreg $0xFFFFFFFF;
	(pc) =	sbr.abs _section_cstart, $3  }
0x38: {  	[dreg:$0x1] =	wrdreg $0xFFFFFFFF  }
0x39: {  	_ =	task.clear_ibuf [dreg:s7], $0x2FFFF;
	_ =	strace $0x9FFFFFFF  }
0x3a: {  	(tm) =	ssettm $0x7FFFFFFF  }
0x3b: {  	_ =	shalt  }
tec
execute0_lowered:
.L_overlay_start_1:
0x0: {  	(tag) =	ssettag $0x1  }
0x1: {  	s0 =	srdreg.scid  }
0x2: {  	s1 =	sshll.u32 s0, $0x4  }
0x3: {  	s0 =	stileid.u32;
	s1 =	sand.u32 $0x10, s1  }
0x4: {  	s1 =	sor.u32 s0, s1  }
0x5: {  	s6 =	rddreg [dreg:$0x0];
	s4 =	simm.s32 $0x1;
	s2 =	sshll.u32 s1, $0x7  }
0x6: {  	s7 =	simm.s32 $0x2;
	s12 =	simm.s32 $0x0;
	s1 =	ssub.s32 $0x1000, s2  }
0x7: {  	s8 =	simm.s32 $0x8000;
	s13 =	simm.s32 $0x0;
	s3 =	sand.u32 $0xF80, s1  }
0x8: {  	s9 =	simm.s32 $0x0;
	s5 =	sshrl.u32 s1, $0xC;
	p0 =	sne.s32 s3, $0x0  }
.Ltmp0:
0x9: {  	s1 =	rddreg [dreg:$0x2];
	s4 =	simm.s32 @!p0 $0x0;
	(pc) =	sbr.rel .LBB1_1-.Ltmp0, $4  }
0xa: {  	s11 =	simm.s32 $0x0;
	s3 =	rddreg [dreg:$0x1];
	s5 =	sadd.s32 s4, s5  }
0xb: {  	_ =	strace $0x8000004D;
	s4 =	simm.s32 $0x1;
	s5 =	smul.u32 $0xC8, s5  }
0xc: {  	s6 =	sadd.s32 $0xE00, s6;
	s10 =	smov.u32 s2;
	[sflag:s4] =	ssyncpa.u1 $0x0  }
0xd: {  	p0 =	por $0x0, $0x0;
	[sflag:s7] =	ssyncpa.u1 $0x0;
	s7 =	sor.u32 $0x1, s5  }
.LBB1_4:
0xe: {  	s16 =	sshll.u32 s13, $0x3;
	s17 =	sand.u32 $0x78, s13  }
0xf: {  	s30 =	sand.u32 $0x7E00, s13;
	s12 =	sshll.u32 s12, $0xF;
	s16 =	sand.u32 $0xC00, s16  }
0x10: {  	[tilespmem:s15+$0x810 ss:$0x81] =	vst.msk $0xffff, v2;
	s31 =	sand.u32 $0x7, s13;
	s16 =	sor.u32 s17, s16;
	s17 =	sadd.s32 s3, s30  }
0x11: {  	[tilespmem:s15+$0x1020 ss:$0x81] =	vst.msk $0xffff, v0;
	s13 =	sshll.u32 s31, $0x12;
	s12 =	sadd.s32 s12, s17;
	s16 =	sshrl.u32 s16, $0x3  }
0x12: {  	[tilespmem:s15+$0x0 ss:$0x81] =	vst.msk $0xffff, v1;
	s13 =	sor.u32 $0x400, s13;
	s12 =	sadd.s32 s16, s12  }
0x13: {  	[hbm4b:s12+s13] =	stream.strided.scatter [tilespmem:s14], [sflag:$0x2], $0x2000, s8, s13, $0x20;
	[tilespmem:$0x8080] =	vst v63  }
.LBB1_5:
0x14: {  	s14 =	sadd.s32 $0x1, s9  }
0x15: {  	s12 =	sadd.s32 $0x1000, s10;
	s16 =	smov.u32 s10;
	p2 =	sgt.s32 s14, $0xC7  }
0x16: {  	s16 =	smov.u32 @p2 s12  }
0x17: {  	s14 =	simm.s32 @p2 $0x0;
	p2 =	sgt.s32 s16, $0xFFF  }
0x18: {  	s16 =	smov.u32 @p2 s2;
	p2 =	sne.s32 s11, s7  }
.Ltmp1:
0x19: {  	p1 =	slt.u32 s11, $0x2;
	(pc) =	sbr.rel @!p2 .LBB1_6-.Ltmp1, $4  }
0x1a: {  	s15 =	simm.s32 @!p1 $0x2  }
0x1b: {  	s13 =	smov.u32 s10;
	p0 =	por !p0, !p0;
	_ =	swait.ge @!p1 [sflag:s15], $0x2000  }
0x1c: {  	s12 =	smov.u32 s9;
	[sflag:s15] =	ssyncset.done @!p1 $0x0;
	s9 =	smov.u32 s14  }
0x1d: {  	s11 =	sadd.s32 $0x1, s11;
	[sflag:s15] =	ssyncadd.s32 @!p1 $0xFFFFE000;
	s10 =	smov.u32 s16  }
.LBB1_1:
0x1e: {  	p1 =	sge.u32 s11, s5  }
0x1f: {  	s14 =	sand.u32 @!p1 $0x1FFFFFF, s9  }
0x20: {  	s15 =	smulhi.u32 @!p1 $0x147AE15, s14;
	_ =	sdelay $0x1  }
0x21: {  	s15 =	smul.u32 @!p1 $0xC8, s15  }
0x22: {  	s16 =	sxor.u32 @!p1 $0xFFFFFFFF, s11;
	s17 =	smul.u32 @!p1 $0xC80, s10  }
0x23: {  	s31 =	sadd.s32 $0xFFFFFFFF, s11;
	s16 =	sshll.u32 @!p1 s16, $0xD;
	s14 =	ssub.s32 @!p1 s14, s15  }
0x24: {  	s15 =	sand.u32 @!p1 $0x2000, s16;
	s16 =	sadd.s32 @!p1 s6, s17;
	s14 =	sshll.u32 @!p1 s14, $0x4  }
0x25: {  	s17 =	simm.s32 @!p1 $0x6400;
	s14 =	sadd.s32 @!p1 s14, s16;
	s16 =	simm.s32 @!p1 $0x40  }
0x26: {  	[tilespmem:s15], [sflag:$0x1] =	stream.strided.gather @!p1 [hbm4b:s14+s16], $0x2000, s17, s16, $0x38;
	[tilespmem:$0x8080] =	vst v63  }
0x27: {  	p1 =	sge.u32 s31, s5  }
.Ltmp2:
0x28: {  	_ = 	snop;
	(pc) =	sbr.rel @p1 .LBB1_5-.Ltmp2, $1  }
0x29: {  	_ =	sdelay $0x3  }
0x2a: {  	s14 =	simm.s32 $0x1  }
0x2b: {  	_ =	swait.ge [sflag:s4], $0x2000;
	s14 =	simm.s32 @!p0 $0x0  }
0x2c: {  	[sflag:s4] =	ssyncset.done $0x0;
	s15 =	sshll.u32 s14, $0xD  }
0x2d: {  	[sflag:s4] =	ssyncadd.s32 $0xFFFFE000;
	s18 =	sor.u32 $0x20, s15  }
0x2e: {  	s14 =	smul.u32 $0x8100, s14;
	v3 =	vld [tilespmem:s18+$0x10]  }
0x2f: {  	s30 =	sand.u32 $0x1, s11;
	v2 =	vld [tilespmem:s18+$0xFFFFFFF0]  }
0x30: {  	s15 =	smul.u32 $0x8100, s30;
	s14 =	sshrl.u32 s14, $0x2;
	v0 =	vld [tilespmem:s18+$0x0]  }
0x31: {  	v1 =	vld [tilespmem:s18+$0xFFFFFFE0];
	s16 =	sor.u32 $0x4000, s14  }
0x32: {  	s31 =	sshrl.u32 s15, $0x2;
	s15 =	sadd.s32 $0x0, s16  }
0x33: {  	s17 =	simm.s32 $0x4;
	s18 =	sadd.s32 $0x40, s18;
	s14 =	sor.u32 $0x4000, s31;
	[tilespmem:s15+$0x1830 ss:$0x81] =	vst.msk $0xffff, v3  }
.LBB1_3:
0x34: {  	v3 =	vld [tilespmem:s18+$0x10];
	p1 =	sne.s32 s17, $0x1FC;
	[tilespmem:s15+$0x810 ss:$0x81] =	vst.msk $0xffff, v2;
	s19 =	smov.u32 s17;
	s17 =	sadd.s32 $0x4, s17  }
.Ltmp3:
0x35: {  	v2 =	vld [tilespmem:s18+$0xFFFFFFF0];
	[tilespmem:s15+$0x1020 ss:$0x81] =	vst.msk $0xffff, v0;
	(pc) =	sbr.rel @p1 .LBB1_3-.Ltmp3, $4  }
0x36: {  	v0 =	vld [tilespmem:s18+$0x0];
	[tilespmem:s15+$0x0 ss:$0x81] =	vst.msk $0xffff, v1  }
0x37: {  	s15 =	sshra.s32 s19, $0x2;
	v1 =	vld [tilespmem:s18+$0xFFFFFFE0]  }
0x38: {  	s15 =	sadd.s32 s15, s16  }
0x39: {  	s18 =	sadd.s32 $0x40, s18;
	[tilespmem:s15+$0x1830 ss:$0x81] =	vst.msk $0xffff, v3  }
.Ltmp4:
0x3a: {  	_ = 	snop;
	(pc) =	sbr.rel .LBB1_4-.Ltmp4, $1  }
0x3b: {  	_ =	sdelay $0x3  }
.LBB1_6:
0x3c: {  	_ =	sfence.sel $0x180000  }
0x3d: {  	s2 =	simm.s32 $0x1;
	[bflag:$0x0] =	sbarrier.arrive $0xFFFF  }
0x3e: {  	s31 =	simm.s32 $0x2;
	[sflag:s2] =	ssyncpa.u1 $0x1  }
0x3f: {  	[sflag:s31] =	ssyncpa.u1 $0x1  }
0x40: {  	p0 =	sne.s32 s0, $0x0;
	_ =	strace $0x9000004D  }
0x41: {  	s0 =	sadd.s32 @!p0 $0x100000, s1;
	[bflag:$0x2] =	sbarrier.arrive $0xFFFF  }
0x42: {  	[sflag:s0] =	ssyncadd.tile.s32 @!p0 $0x1;
	_ =	shalt  }
.Lfunc_end1:
_tile_overlayer_lowered:
.L_overlay_start_2:
0x43: {  	(tag) =	ssettag $0x2  }
0x44: {  	s0 =	rddreg [dreg:$0x0];
	s2 =	stileid.u32  }
0x45: {  	s1 =	rddreg [dreg:$0x1];
	p0 =	sne.s32 s2, $0x0  }
0x46: {  	s3 =	rddreg [dreg:$0x2];
	[bflag:$0x3] =	sbarrier.arrive $0xFFFF;
	s2 =	simm.s32 @!p0 $0x1C01  }
0x47: {  	[timem:s3], [sflag:s2] =	dma.local @!p0 [hbm:s0], s1  }
0x48: {  	s0 =	simm.s32 @!p0 $0x1  }
0x49: {  	_ =	swait.ge @!p0 [sflag:s0], s1  }
0x4a: {  	s1 =	ssub.s32 @!p0 $0x0, s1;
	[sflag:s0] =	ssyncset.done @!p0 $0x0  }
0x4b: {  	[sflag:s0] =	ssyncadd.s32 @!p0 s1  }
0x4c: {  	[bflag:$0x3] =	sbarrier.arrive $0xFFFF  }
0x4d: {  	_ =	shalt  }

</sc_bundles>
